<compile_context>
chip_gen: v7x
topology: tpu7x:2x2x1
jax: 0.10.2.dev20260603
libtpu: 0.0.44.dev20260713+nightly
codegen_flags: <defaults>
</compile_context>

<pallas_src>
import math

import jax
import jax.numpy as jnp
import numpy as np
from jax import lax
from jax.experimental import pallas as pl
from jax.experimental.pallas import tpu as pltpu
from jax.experimental.pallas import tpu_sc as plsc

N = 10000
E = 320000
IN_DIM = 128
OUT_DIM = 128
H = 8
DK = OUT_DIM // H

NC = 2
NS = 16
HH = H // NC
HW = HH * DK
CHUNK = 128
N_PAD = 10240
E_PER_S = ((E + NS * CHUNK - 1) // (NS * CHUNK)) * CHUNK
E_PAD = E_PER_S * NS
N_CHUNKS = E_PER_S // CHUNK
ROWS_PER_S = N_PAD // NS
ZCHUNKS = ROWS_PER_S // CHUNK

_m = np.arange(HW)
_r = _m % 16
_D_OF = (_m // 16) * 4 + (_r // 4)
_HL_OF = _r % 4
_OLD0 = (_HL_OF + 0 * HH) * DK + _D_OF
_OLD1 = (_HL_OF + 1 * HH) * DK + _D_OF


def _qkv_body(h_ref, wq_ref, wk_ref, wv_ref, bq_ref, bk_ref, bv_ref,
              pq_ref, ra_ref, rm_ref, q_ref, kv_ref):
    hb = h_ref[...]
    q = jnp.dot(hb, wq_ref[...], preferred_element_type=jnp.float32) + bq_ref[...]
    k = jnp.dot(hb, wk_ref[...], preferred_element_type=jnp.float32) + bk_ref[...]
    v = jnp.dot(hb, wv_ref[...], preferred_element_type=jnp.float32) + bv_ref[...]
    qil = jnp.dot(q, pq_ref[...], preferred_element_type=jnp.float32)
    kil = jnp.dot(k, ra_ref[...], preferred_element_type=jnp.float32)
    vil = jnp.dot(v, rm_ref[...], preferred_element_type=jnp.float32)
    for c in range(NC):
        q_ref[c] = qil[:, c * HW:(c + 1) * HW]
        kv_ref[c] = jnp.concatenate(
            [kil[:, c * HW:(c + 1) * HW], vil[:, c * HW:(c + 1) * HW]], axis=1)


def _qkv(h_pad, WqT, WkT, WvT, bq, bk, bv, PQ, RAP, RMP):
    blk = 512
    grid = N_PAD // blk
    full = lambda shape: pl.BlockSpec(shape, lambda i: tuple(0 for _ in shape))
    return pl.pallas_call(
        _qkv_body,
        grid=(grid,),
        in_specs=[
            pl.BlockSpec((blk, IN_DIM), lambda i: (i, 0)),
            full((IN_DIM, OUT_DIM)), full((IN_DIM, OUT_DIM)), full((IN_DIM, OUT_DIM)),
            full((1, OUT_DIM)), full((1, OUT_DIM)), full((1, OUT_DIM)),
            full((OUT_DIM, OUT_DIM)), full((OUT_DIM, OUT_DIM)),
            full((OUT_DIM, OUT_DIM)),
        ],
        out_specs=[
            pl.BlockSpec((NC, blk, HW), lambda i: (0, i, 0)),
            pl.BlockSpec((NC, blk, 2 * HW), lambda i: (0, i, 0)),
        ],
        out_shape=[
            jax.ShapeDtypeStruct((NC, N_PAD, HW), jnp.float32),
            jax.ShapeDtypeStruct((NC, N_PAD, 2 * HW), jnp.float32),
        ],
    )(h_pad, WqT, WkT, WvT, bq, bk, bv, PQ, RAP, RMP)


def _perm16(x, xor_mask):
    idx = (lax.iota(jnp.int32, 16) ^ xor_mask)[:, None]
    dnums = lax.GatherDimensionNumbers(
        offset_dims=(), collapsed_slice_dims=(0,), start_index_map=(0,))
    return lax.gather(x, idx, dnums, (1,),
                      mode=lax.GatherScatterMode.PROMISE_IN_BOUNDS)


def _sc_body(q_hbm, kv_hbm, src_hbm, dst_hbm, agg_hbm, den_hbm,
             sidx, didx, gidx, qbuf, kvbuf, wvbuf, tbuf, agg_sh, den_sh,
             sem_q, sem_kv):
    c = lax.axis_index("c")
    s = lax.axis_index("s")
    base_off = c * N_PAD

    def zrow(i, _):
        for j in range(HW // 16):
            wvbuf[i, pl.ds(j * 16, 16)] = jnp.zeros((16,), jnp.float32)
        tbuf[i, :] = jnp.zeros((16,), jnp.float32)
        return 0
    lax.fori_loop(0, CHUNK, zrow, 0)
    for r in range(ZCHUNKS):
        base = s * ROWS_PER_S + r * CHUNK
        pltpu.sync_copy(wvbuf, agg_sh.at[pl.ds(base, CHUNK)])
        pltpu.sync_copy(tbuf, den_sh.at[pl.ds(base, CHUNK)])
    plsc.subcore_barrier()

    def chunk_body(g, _):
        ebase = s * E_PER_S + g * CHUNK
        pltpu.sync_copy(src_hbm.at[pl.ds(ebase, CHUNK)], sidx)
        pltpu.sync_copy(dst_hbm.at[pl.ds(ebase, CHUNK)], didx)
        for j in range(CHUNK // 16):
            sl = pl.ds(j * 16, 16)
            sidx[sl] = sidx[sl] + base_off
            gidx[sl] = didx[sl] + base_off
        cp_q = pltpu.async_copy(q_hbm.at[gidx], qbuf, sem_q)
        cp_kv = pltpu.async_copy(kv_hbm.at[sidx], kvbuf, sem_kv)
        cp_q.wait()
        cp_kv.wait()

        @plsc.parallel_loop(0, CHUNK, unroll=4)
        def _(e):
            acc = qbuf[e, pl.ds(0, 16)] * kvbuf[e, pl.ds(0, 16)]
            for j in range(1, HW // 16):
                acc = acc + qbuf[e, pl.ds(j * 16, 16)] * kvbuf[e, pl.ds(j * 16, 16)]
            acc = acc + _perm16(acc, 8)
            acc = acc + _perm16(acc, 4)
            ex16 = jnp.exp(acc)
            tbuf[e, :] = ex16
            for j in range(HW // 16):
                vv = kvbuf[e, pl.ds(HW + j * 16, 16)]
                wvbuf[e, pl.ds(j * 16, 16)] = vv * ex16

        pltpu.sync_copy(wvbuf, agg_sh.at[didx], add=True)
        pltpu.sync_copy(tbuf, den_sh.at[didx], add=True)
        return 0
    lax.fori_loop(0, N_CHUNKS, chunk_body, 0)

    plsc.subcore_barrier()
    rbase = s * ROWS_PER_S
    pltpu.sync_copy(agg_sh.at[pl.ds(rbase, ROWS_PER_S)],
                    agg_hbm.at[c, pl.ds(rbase, ROWS_PER_S)])
    pltpu.sync_copy(den_sh.at[pl.ds(rbase, ROWS_PER_S)],
                    den_hbm.at[c, pl.ds(rbase, ROWS_PER_S)])


def _sc_edges(q_tab, kv_tab, src_pad, dst_pad):
    mesh = plsc.VectorSubcoreMesh(core_axis_name="c", subcore_axis_name="s",
                                  num_cores=NC, num_subcores=NS)
    kern = pl.kernel(
        _sc_body,
        out_type=[
            jax.ShapeDtypeStruct((NC, N_PAD, HW), jnp.float32),
            jax.ShapeDtypeStruct((NC, N_PAD, 16), jnp.float32),
        ],
        mesh=mesh,
        compiler_params=pltpu.CompilerParams(use_tc_tiling_on_sc=False),
        scratch_types=[
            pltpu.VMEM((CHUNK,), jnp.int32),
            pltpu.VMEM((CHUNK,), jnp.int32),
            pltpu.VMEM((CHUNK,), jnp.int32),
            pltpu.VMEM((CHUNK, HW), jnp.float32),
            pltpu.VMEM((CHUNK, 2 * HW), jnp.float32),
            pltpu.VMEM((CHUNK, HW), jnp.float32),
            pltpu.VMEM((CHUNK, 16), jnp.float32),
            pltpu.VMEM_SHARED((N_PAD, HW), jnp.float32),
            pltpu.VMEM_SHARED((N_PAD, 16), jnp.float32),
            pltpu.SemaphoreType.DMA,
            pltpu.SemaphoreType.DMA,
        ],
    )
    return kern(q_tab, kv_tab, src_pad, dst_pad)


def _out_body(agg_ref, den_ref, h_ref, e0_ref, e1_ref, w2_ref, wh_ref, b_ref,
              out_ref):
    a = jnp.concatenate([agg_ref[0], agg_ref[1]], axis=1)
    dexp = (jnp.dot(den_ref[0], e0_ref[...], preferred_element_type=jnp.float32)
            + jnp.dot(den_ref[1], e1_ref[...], preferred_element_type=jnp.float32))
    x = a / (dexp + 1e-16)
    t = jnp.dot(x, w2_ref[...], preferred_element_type=jnp.float32)
    t = t + jnp.dot(h_ref[...], wh_ref[...], preferred_element_type=jnp.float32)
    out_ref[...] = t + b_ref[...]


def _out(agg, den, h, E0, E1, W2, Wh, b):
    blk = 1000
    grid = N // blk
    full = lambda shape: pl.BlockSpec(shape, lambda i: tuple(0 for _ in shape))
    return pl.pallas_call(
        _out_body,
        grid=(grid,),
        in_specs=[
            pl.BlockSpec((NC, blk, HW), lambda i: (0, i, 0)),
            pl.BlockSpec((NC, blk, 16), lambda i: (0, i, 0)),
            pl.BlockSpec((blk, IN_DIM), lambda i: (i, 0)),
            full((16, OUT_DIM)),
            full((16, OUT_DIM)),
            full((OUT_DIM, OUT_DIM)),
            full((IN_DIM, OUT_DIM)),
            full((1, OUT_DIM)),
        ],
        out_specs=pl.BlockSpec((blk, OUT_DIM), lambda i: (i, 0)),
        out_shape=jax.ShapeDtypeStruct((N, OUT_DIM), jnp.float32),
    )(agg, den, h, E0, E1, W2, Wh, b)


@jax.jit
def kernel(h, edge_index, Wk, bk, Wq, bq, Wv, bv, Wa, ba, rel_att, rel_msg,
           rel_pri, skip):
    f32 = jnp.float32
    WqT = Wq.T
    WkT = Wk.T
    WvT = Wv.T
    RA = jnp.zeros((OUT_DIM, OUT_DIM), f32)
    RM = jnp.zeros((OUT_DIM, OUT_DIM), f32)
    for i in range(H):
        RA = RA.at[i * DK:(i + 1) * DK, i * DK:(i + 1) * DK].set(rel_att[i])
        RM = RM.at[i * DK:(i + 1) * DK, i * DK:(i + 1) * DK].set(rel_msg[i])
    pri = jnp.repeat(rel_pri, DK) * (1.0 / math.sqrt(DK))

    oldidx = np.concatenate([_OLD0, _OLD1])
    PQ = (jnp.diag(pri))[:, oldidx]
    RAP = RA[:, oldidx]
    RMP = RM[:, oldidx]

    h_pad = jnp.pad(h, ((0, N_PAD - N), (0, 0)))
    q_tab, kv_tab = _qkv(h_pad, WqT, WkT, WvT,
                         bq.reshape(1, -1), bk.reshape(1, -1),
                         bv.reshape(1, -1), PQ, RAP, RMP)

    pad = jnp.full((E_PAD - E,), N, jnp.int32)
    src_pad = jnp.concatenate([edge_index[0], pad])
    dst_pad = jnp.concatenate([edge_index[1], pad])

    agg, den = _sc_edges(q_tab.reshape(NC * N_PAD, HW),
                         kv_tab.reshape(NC * N_PAD, 2 * HW),
                         src_pad, dst_pad)

    nn = np.arange(OUT_DIM)
    hl_of_n = (nn % 16) % 4
    j16 = np.arange(16)
    E0 = ((j16[:, None] == hl_of_n[None, :]) & (j16[:, None] < 4)
          & (nn[None, :] < HW)).astype(np.float32)
    E1 = ((j16[:, None] == hl_of_n[None, :]) & (j16[:, None] < 4)
          & (nn[None, :] >= HW)).astype(np.float32)
    alpha = jax.nn.sigmoid(skip[0])
    W2 = (Wa.T * alpha)[oldidx, :]
    Wh = jnp.eye(IN_DIM, dtype=f32) * (1.0 - alpha)
    b = (ba * alpha).reshape(1, OUT_DIM)

    return _out(agg[:, :N], den[:, :N], h,
                jnp.asarray(E0), jnp.asarray(E1), W2, Wh, b)

# --- scband reference (transcript-rebuilt; emitter-appended) ---
"""Pipeline reference for scband-hgtlayer-23708219474683 (READ-ONLY COPY).

The authoritative reference and input builder live on the scoring server;
editing this copy changes nothing except your own understanding.
"""

import jax, jax.numpy as jnp
import numpy as np
import math

N = 10000
E = 320000
IN_DIM = 128
OUT_DIM = 128
H = 8
DK = OUT_DIM // H


def setup_inputs(seed: int = 0) -> dict:
    key = jax.random.key(seed)
    ks = jax.random.split(key, 14)
    s = 0.05
    h = jax.random.normal(ks[0], (N, IN_DIM), dtype=jnp.float32)
    edge_index = jax.random.randint(ks[1], (2, E), 0, N, dtype=jnp.int32)
    Wk = jax.random.normal(ks[2], (OUT_DIM, IN_DIM), dtype=jnp.float32) * s
    bk = jnp.zeros((OUT_DIM,), dtype=jnp.float32)
    Wq = jax.random.normal(ks[3], (OUT_DIM, IN_DIM), dtype=jnp.float32) * s
    bq = jnp.zeros((OUT_DIM,), dtype=jnp.float32)
    Wv = jax.random.normal(ks[4], (OUT_DIM, IN_DIM), dtype=jnp.float32) * s
    bv = jnp.zeros((OUT_DIM,), dtype=jnp.float32)
    Wa = jax.random.normal(ks[5], (OUT_DIM, OUT_DIM), dtype=jnp.float32) * s
    ba = jnp.zeros((OUT_DIM,), dtype=jnp.float32)
    xav = math.sqrt(6.0 / (DK + DK))
    rel_att = jax.random.uniform(ks[6], (H, DK, DK), dtype=jnp.float32, minval=-xav, maxval=xav)
    rel_msg = jax.random.uniform(ks[7], (H, DK, DK), dtype=jnp.float32, minval=-xav, maxval=xav)
    rel_pri = jnp.ones((H,), dtype=jnp.float32)
    skip = jnp.ones((1,), dtype=jnp.float32)
    return {"h": h, "edge_index": edge_index, "Wk": Wk, "bk": bk, "Wq": Wq, "bq": bq, "Wv": Wv, "bv": bv, "Wa": Wa, "ba": ba, "rel_att": rel_att, "rel_msg": rel_msg, "rel_pri": rel_pri, "skip": skip}


def reference(h, edge_index, Wk, bk, Wq, bq, Wv, bv, Wa, ba, rel_att, rel_msg, rel_pri, skip):
    src = edge_index[0]
    dst = edge_index[1]
    k = (h @ Wk.T + bk).reshape(-1, H, DK)
    q = (h @ Wq.T + bq).reshape(-1, H, DK)
    v = (h @ Wv.T + bv).reshape(-1, H, DK)
    k = jnp.einsum('bij,ijk->bik', k, rel_att)
    v = jnp.einsum('bij,ijk->bik', v, rel_msg)
    # apply_edges v_dot_u('q','k'): dot(q[dst], k[src]) per head -> [E, H]
    t = jnp.sum(q[dst] * k[src], axis=-1)
    attn_score = t * rel_pri / math.sqrt(DK)
    # edge_softmax normalized by dst
    seg_max = jax.ops.segment_max(attn_score, dst, num_segments=N)
    seg_max = jnp.where(jnp.isfinite(seg_max), seg_max, 0.0)
    ex = jnp.exp(attn_score - seg_max[dst])
    seg_sum = jax.ops.segment_sum(ex, dst, num_segments=N)
    alpha_e = ex / (seg_sum[dst] + 1e-16)
    # update_all u_mul_e('v','t') with sum reduce
    m = v[src] * alpha_e[:, :, None]
    agg = jax.ops.segment_sum(m, dst, num_segments=N)
    tnode = agg.reshape(-1, OUT_DIM)
    trans_out = tnode @ Wa.T + ba  # dropout p=0 -> identity
    alpha = jax.nn.sigmoid(skip[0])
    new_h = trans_out * alpha + h * (1.0 - alpha)
    return new_h  # use_norm=False -> Identity

if __name__ == "__main__":
    import jax
    _d = setup_inputs()
    print(jax.jit(kernel)(*tuple(_d.values())))

</pallas_src>

<mosaic_0001>
#map = affine_map<(d0, d1) -> (0, 0)>
#map1 = affine_map<(d0, d1) -> (0)>
#map2 = affine_map<(d0, d1) -> (0, 0, 0)>
module attributes {stable_mosaic.version = 14 : i64} {
  func.func @_sc_body(%arg0: i32, %arg1: i32, %arg2: memref<20480x64xf32, #tpu.memory_space<hbm>>, %arg3: memref<20480x128xf32, #tpu.memory_space<hbm>>, %arg4: memref<321536xi32, #tpu.memory_space<hbm>>, %arg5: memref<321536xi32, #tpu.memory_space<hbm>>, %arg6: memref<2x10240x64xf32, #tpu.memory_space<hbm>>, %arg7: memref<2x10240x16xf32, #tpu.memory_space<hbm>>, %arg8: memref<128xi32, #tpu.memory_space<vmem>>, %arg9: memref<128xi32, #tpu.memory_space<vmem>>, %arg10: memref<128xi32, #tpu.memory_space<vmem>>, %arg11: memref<128x64xf32, #tpu.memory_space<vmem>>, %arg12: memref<128x128xf32, #tpu.memory_space<vmem>>, %arg13: memref<128x64xf32, #tpu.memory_space<vmem>>, %arg14: memref<128x16xf32, #tpu.memory_space<vmem>>, %arg15: memref<10240x64xf32, #tpu.memory_space<vmem_shared>>, %arg16: memref<10240x16xf32, #tpu.memory_space<vmem_shared>>, %arg17: memref<!tpu.dma_semaphore, #tpu.memory_space<semaphore_mem>>, %arg18: memref<!tpu.dma_semaphore, #tpu.memory_space<semaphore_mem>>) attributes {dimension_semantics = [#tpu.dimension_semantics<core_parallel>, #tpu.dimension_semantics<subcore_parallel>], iteration_bounds = array<i64: 2, 16>, scalar_prefetch = 0 : i64, scratch_operands = 11 : i64, tpu.core_type = #tpu.core_type<sc_vector_subcore>, window_params = [{transform_indices = #map}, {transform_indices = #map}, {transform_indices = #map1}, {transform_indices = #map1}, {transform_indices = #map2}, {transform_indices = #map2}]} {
    %mul3A = arith.constant 10240 : i32
    %mul3A_0 = arith.muli %arg0, %mul3A : i32
    %scan3A = arith.constant 0 : i32
    %scan3A_1 = arith.constant 0 : i32
    %scan3A_2 = arith.constant 128 : i32
    %scan3A_3 = arith.addi %scan3A_1, %scan3A_2 : i32
    %scan3A_4 = arith.constant 1 : i32
    %scan3A_5 = scf.for %scan3A_36 = %scan3A_1 to %scan3A_3 step %scan3A_4 iter_args(%scan3A_37 = %scan3A) -> (i32)  : i32 {
      %broadcast_in_dim3A = arith.constant 0.000000e+00 : f32
      %broadcast_in_dim3A_38 = vector.broadcast %broadcast_in_dim3A : f32 to vector<16xf32>
      %swap3A = arith.index_cast %scan3A_36 : i32 to index
      %swap3A_39 = arith.constant 0 : index
      %swap3A_40 = tpu.vector_load %arg13[%swap3A, %swap3A_39] {strides = array<i32>} : memref<128x64xf32, #tpu.memory_space<vmem>>, vector<1x16xf32>,
      %swap3A_41 = vector.shape_cast %swap3A_40 : vector<1x16xf32> to vector<16xf32>
      %swap3A_42 = vector.shape_cast %broadcast_in_dim3A_38 : vector<16xf32> to vector<1x16xf32>
      tpu.vector_store %arg13[%swap3A, %swap3A_39], %swap3A_42 {strides = array<i32>} : memref<128x64xf32, #tpu.memory_space<vmem>>, vector<1x16xf32>,
      %broadcast_in_dim3A_43 = arith.constant 0.000000e+00 : f32
      %broadcast_in_dim3A_44 = vector.broadcast %broadcast_in_dim3A_43 : f32 to vector<16xf32>
      %swap3A_45 = arith.index_cast %scan3A_36 : i32 to index
      %swap3A_46 = arith.constant 16 : index
      %swap3A_47 = tpu.vector_load %arg13[%swap3A_45, %swap3A_46] {strides = array<i32>} : memref<128x64xf32, #tpu.memory_space<vmem>>, vector<1x16xf32>,
      %swap3A_48 = vector.shape_cast %swap3A_47 : vector<1x16xf32> to vector<16xf32>
      %swap3A_49 = vector.shape_cast %broadcast_in_dim3A_44 : vector<16xf32> to vector<1x16xf32>
      tpu.vector_store %arg13[%swap3A_45, %swap3A_46], %swap3A_49 {strides = array<i32>} : memref<128x64xf32, #tpu.memory_space<vmem>>, vector<1x16xf32>,
      %broadcast_in_dim3A_50 = arith.constant 0.000000e+00 : f32
      %broadcast_in_dim3A_51 = vector.broadcast %broadcast_in_dim3A_50 : f32 to vector<16xf32>
      %swap3A_52 = arith.index_cast %scan3A_36 : i32 to index
      %swap3A_53 = arith.constant 32 : index
      %swap3A_54 = tpu.vector_load %arg13[%swap3A_52, %swap3A_53] {strides = array<i32>} : memref<128x64xf32, #tpu.memory_space<vmem>>, vector<1x16xf32>,
      %swap3A_55 = vector.shape_cast %swap3A_54 : vector<1x16xf32> to vector<16xf32>
      %swap3A_56 = vector.shape_cast %broadcast_in_dim3A_51 : vector<16xf32> to vector<1x16xf32>
      tpu.vector_store %arg13[%swap3A_52, %swap3A_53], %swap3A_56 {strides = array<i32>} : memref<128x64xf32, #tpu.memory_space<vmem>>, vector<1x16xf32>,
      %broadcast_in_dim3A_57 = arith.constant 0.000000e+00 : f32
      %broadcast_in_dim3A_58 = vector.broadcast %broadcast_in_dim3A_57 : f32 to vector<16xf32>
      %swap3A_59 = arith.index_cast %scan3A_36 : i32 to index
      %swap3A_60 = arith.constant 48 : index
      %swap3A_61 = tpu.vector_load %arg13[%swap3A_59, %swap3A_60] {strides = array<i32>} : memref<128x64xf32, #tpu.memory_space<vmem>>, vector<1x16xf32>,
      %swap3A_62 = vector.shape_cast %swap3A_61 : vector<1x16xf32> to vector<16xf32>
      %swap3A_63 = vector.shape_cast %broadcast_in_dim3A_58 : vector<16xf32> to vector<1x16xf32>
      tpu.vector_store %arg13[%swap3A_59, %swap3A_60], %swap3A_63 {strides = array<i32>} : memref<128x64xf32, #tpu.memory_space<vmem>>, vector<1x16xf32>,
      %broadcast_in_dim3A_64 = arith.constant 0.000000e+00 : f32
      %broadcast_in_dim3A_65 = vector.broadcast %broadcast_in_dim3A_64 : f32 to vector<16xf32>
      %swap3A_66 = arith.index_cast %scan3A_36 : i32 to index
      %swap3A_67 = arith.constant 0 : index
      %swap3A_68 = tpu.vector_load %arg14[%swap3A_66, %swap3A_67] {strides = array<i32>} : memref<128x16xf32, #tpu.memory_space<vmem>>, vector<1x16xf32>,
      %swap3A_69 = vector.shape_cast %swap3A_68 : vector<1x16xf32> to vector<16xf32>
      %swap3A_70 = vector.shape_cast %broadcast_in_dim3A_65 : vector<16xf32> to vector<1x16xf32>
      tpu.vector_store %arg14[%swap3A_66, %swap3A_67], %swap3A_70 {strides = array<i32>} : memref<128x16xf32, #tpu.memory_space<vmem>>, vector<1x16xf32>,
      %scan3A_71 = arith.constant 0 : i32
      scf.yield %scan3A_71 : i32
    }
    %scan3A_6 = arith.constant 128 : i32
    %mul3A_7 = arith.constant 640 : i32
    %mul3A_8 = arith.muli %arg1, %mul3A_7 : i32
    %add3A = arith.constant 0 : i32
    %add3A_9 = arith.addi %mul3A_8, %add3A : i32
    "tpu.region"() ({
      %run_scoped3A = tpu.sem_alloc : memref<!tpu.dma_semaphore, #tpu.memory_space<semaphore_mem>>
      %dma_start3A = arith.constant 0 : i32
      %dma_start3A_36 = tpu.memref_slice %arg15[%add3A_9, %dma_start3A] : memref<10240x64xf32, #tpu.memory_space<vmem_shared>> -> memref<128x64xf32, #tpu.memory_space<vmem_shared>>
      %dma_start3A_37 = arith.constant 0 : i32
      %dma_start3A_38 = tpu.memref_slice %arg15[%add3A_9, %dma_start3A_37] : memref<10240x64xf32, #tpu.memory_space<vmem_shared>> -> memref<128x64xf32, #tpu.memory_space<vmem_shared>>
      tpu.enqueue_dma source(%arg13 : memref<128x64xf32, #tpu.memory_space<vmem>>) target(%dma_start3A_38 : memref<128x64xf32, #tpu.memory_space<vmem_shared>>) target_semaphore(%run_scoped3A : memref<!tpu.dma_semaphore, #tpu.memory_space<semaphore_mem>>)
      %dma_wait3A = arith.constant 0 : i32
      %dma_wait3A_39 = tpu.memref_slice %arg15[%add3A_9, %dma_wait3A] : memref<10240x64xf32, #tpu.memory_space<vmem_shared>> -> memref<128x64xf32, #tpu.memory_space<vmem_shared>>
      %dma_wait3A_40 = arith.constant 0 : i32
      %dma_wait3A_41 = tpu.memref_slice %arg15[%add3A_9, %dma_wait3A_40] : memref<10240x64xf32, #tpu.memory_space<vmem_shared>> -> memref<128x64xf32, #tpu.memory_space<vmem_shared>>
      tpu.wait_dma2 semaphore(%run_scoped3A : memref<!tpu.dma_semaphore, #tpu.memory_space<semaphore_mem>>) src(%arg13 : memref<128x64xf32, #tpu.memory_space<vmem>>) dst(%dma_wait3A_41 : memref<128x64xf32, #tpu.memory_space<vmem_shared>>)
      tpu.yield
    }) : () -> ()
    "tpu.region"() ({
      %run_scoped3A = tpu.sem_alloc : memref<!tpu.dma_semaphore, #tpu.memory_space<semaphore_mem>>
      %dma_start3A = arith.constant 0 : i32
      %dma_start3A_36 = tpu.memref_slice %arg16[%add3A_9, %dma_start3A] : memref<10240x16xf32, #tpu.memory_space<vmem_shared>> -> memref<128x16xf32, #tpu.memory_space<vmem_shared>>
      %dma_start3A_37 = arith.constant 0 : i32
      %dma_start3A_38 = tpu.memref_slice %arg16[%add3A_9, %dma_start3A_37] : memref<10240x16xf32, #tpu.memory_space<vmem_shared>> -> memref<128x16xf32, #tpu.memory_space<vmem_shared>>
      tpu.enqueue_dma source(%arg14 : memref<128x16xf32, #tpu.memory_space<vmem>>) target(%dma_start3A_38 : memref<128x16xf32, #tpu.memory_space<vmem_shared>>) target_semaphore(%run_scoped3A : memref<!tpu.dma_semaphore, #tpu.memory_space<semaphore_mem>>)
      %dma_wait3A = arith.constant 0 : i32
      %dma_wait3A_39 = tpu.memref_slice %arg16[%add3A_9, %dma_wait3A] : memref<10240x16xf32, #tpu.memory_space<vmem_shared>> -> memref<128x16xf32, #tpu.memory_space<vmem_shared>>
      %dma_wait3A_40 = arith.constant 0 : i32
      %dma_wait3A_41 = tpu.memref_slice %arg16[%add3A_9, %dma_wait3A_40] : memref<10240x16xf32, #tpu.memory_space<vmem_shared>> -> memref<128x16xf32, #tpu.memory_space<vmem_shared>>
      tpu.wait_dma2 semaphore(%run_scoped3A : memref<!tpu.dma_semaphore, #tpu.memory_space<semaphore_mem>>) src(%arg14 : memref<128x16xf32, #tpu.memory_space<vmem>>) dst(%dma_wait3A_41 : memref<128x16xf32, #tpu.memory_space<vmem_shared>>)
      tpu.yield
    }) : () -> ()
    %mul3A_10 = arith.constant 640 : i32
    %mul3A_11 = arith.muli %arg1, %mul3A_10 : i32
    %add3A_12 = arith.constant 128 : i32
    %add3A_13 = arith.addi %mul3A_11, %add3A_12 : i32
    "tpu.region"() ({
      %run_scoped3A = tpu.sem_alloc : memref<!tpu.dma_semaphore, #tpu.memory_space<semaphore_mem>>
      %dma_start3A = arith.constant 0 : i32
      %dma_start3A_36 = tpu.memref_slice %arg15[%add3A_13, %dma_start3A] : memref<10240x64xf32, #tpu.memory_space<vmem_shared>> -> memref<128x64xf32, #tpu.memory_space<vmem_shared>>
      %dma_start3A_37 = arith.constant 0 : i32
      %dma_start3A_38 = tpu.memref_slice %arg15[%add3A_13, %dma_start3A_37] : memref<10240x64xf32, #tpu.memory_space<vmem_shared>> -> memref<128x64xf32, #tpu.memory_space<vmem_shared>>
      tpu.enqueue_dma source(%arg13 : memref<128x64xf32, #tpu.memory_space<vmem>>) target(%dma_start3A_38 : memref<128x64xf32, #tpu.memory_space<vmem_shared>>) target_semaphore(%run_scoped3A : memref<!tpu.dma_semaphore, #tpu.memory_space<semaphore_mem>>)
      %dma_wait3A = arith.constant 0 : i32
      %dma_wait3A_39 = tpu.memref_slice %arg15[%add3A_13, %dma_wait3A] : memref<10240x64xf32, #tpu.memory_space<vmem_shared>> -> memref<128x64xf32, #tpu.memory_space<vmem_shared>>
      %dma_wait3A_40 = arith.constant 0 : i32
      %dma_wait3A_41 = tpu.memref_slice %arg15[%add3A_13, %dma_wait3A_40] : memref<10240x64xf32, #tpu.memory_space<vmem_shared>> -> memref<128x64xf32, #tpu.memory_space<vmem_shared>>
      tpu.wait_dma2 semaphore(%run_scoped3A : memref<!tpu.dma_semaphore, #tpu.memory_space<semaphore_mem>>) src(%arg13 : memref<128x64xf32, #tpu.memory_space<vmem>>) dst(%dma_wait3A_41 : memref<128x64xf32, #tpu.memory_space<vmem_shared>>)
      tpu.yield
    }) : () -> ()
    "tpu.region"() ({
      %run_scoped3A = tpu.sem_alloc : memref<!tpu.dma_semaphore, #tpu.memory_space<semaphore_mem>>
      %dma_start3A = arith.constant 0 : i32
      %dma_start3A_36 = tpu.memref_slice %arg16[%add3A_13, %dma_start3A] : memref<10240x16xf32, #tpu.memory_space<vmem_shared>> -> memref<128x16xf32, #tpu.memory_space<vmem_shared>>
      %dma_start3A_37 = arith.constant 0 : i32
      %dma_start3A_38 = tpu.memref_slice %arg16[%add3A_13, %dma_start3A_37] : memref<10240x16xf32, #tpu.memory_space<vmem_shared>> -> memref<128x16xf32, #tpu.memory_space<vmem_shared>>
      tpu.enqueue_dma source(%arg14 : memref<128x16xf32, #tpu.memory_space<vmem>>) target(%dma_start3A_38 : memref<128x16xf32, #tpu.memory_space<vmem_shared>>) target_semaphore(%run_scoped3A : memref<!tpu.dma_semaphore, #tpu.memory_space<semaphore_mem>>)
      %dma_wait3A = arith.constant 0 : i32
      %dma_wait3A_39 = tpu.memref_slice %arg16[%add3A_13, %dma_wait3A] : memref<10240x16xf32, #tpu.memory_space<vmem_shared>> -> memref<128x16xf32, #tpu.memory_space<vmem_shared>>
      %dma_wait3A_40 = arith.constant 0 : i32
      %dma_wait3A_41 = tpu.memref_slice %arg16[%add3A_13, %dma_wait3A_40] : memref<10240x16xf32, #tpu.memory_space<vmem_shared>> -> memref<128x16xf32, #tpu.memory_space<vmem_shared>>
      tpu.wait_dma2 semaphore(%run_scoped3A : memref<!tpu.dma_semaphore, #tpu.memory_space<semaphore_mem>>) src(%arg14 : memref<128x16xf32, #tpu.memory_space<vmem>>) dst(%dma_wait3A_41 : memref<128x16xf32, #tpu.memory_space<vmem_shared>>)
      tpu.yield
    }) : () -> ()
    %mul3A_14 = arith.constant 640 : i32
    %mul3A_15 = arith.muli %arg1, %mul3A_14 : i32
    %add3A_16 = arith.constant 256 : i32
    %add3A_17 = arith.addi %mul3A_15, %add3A_16 : i32
    "tpu.region"() ({
      %run_scoped3A = tpu.sem_alloc : memref<!tpu.dma_semaphore, #tpu.memory_space<semaphore_mem>>
      %dma_start3A = arith.constant 0 : i32
      %dma_start3A_36 = tpu.memref_slice %arg15[%add3A_17, %dma_start3A] : memref<10240x64xf32, #tpu.memory_space<vmem_shared>> -> memref<128x64xf32, #tpu.memory_space<vmem_shared>>
      %dma_start3A_37 = arith.constant 0 : i32
      %dma_start3A_38 = tpu.memref_slice %arg15[%add3A_17, %dma_start3A_37] : memref<10240x64xf32, #tpu.memory_space<vmem_shared>> -> memref<128x64xf32, #tpu.memory_space<vmem_shared>>
      tpu.enqueue_dma source(%arg13 : memref<128x64xf32, #tpu.memory_space<vmem>>) target(%dma_start3A_38 : memref<128x64xf32, #tpu.memory_space<vmem_shared>>) target_semaphore(%run_scoped3A : memref<!tpu.dma_semaphore, #tpu.memory_space<semaphore_mem>>)
      %dma_wait3A = arith.constant 0 : i32
      %dma_wait3A_39 = tpu.memref_slice %arg15[%add3A_17, %dma_wait3A] : memref<10240x64xf32, #tpu.memory_space<vmem_shared>> -> memref<128x64xf32, #tpu.memory_space<vmem_shared>>
      %dma_wait3A_40 = arith.constant 0 : i32
      %dma_wait3A_41 = tpu.memref_slice %arg15[%add3A_17, %dma_wait3A_40] : memref<10240x64xf32, #tpu.memory_space<vmem_shared>> -> memref<128x64xf32, #tpu.memory_space<vmem_shared>>
      tpu.wait_dma2 semaphore(%run_scoped3A : memref<!tpu.dma_semaphore, #tpu.memory_space<semaphore_mem>>) src(%arg13 : memref<128x64xf32, #tpu.memory_space<vmem>>) dst(%dma_wait3A_41 : memref<128x64xf32, #tpu.memory_space<vmem_shared>>)
      tpu.yield
    }) : () -> ()
    "tpu.region"() ({
      %run_scoped3A = tpu.sem_alloc : memref<!tpu.dma_semaphore, #tpu.memory_space<semaphore_mem>>
      %dma_start3A = arith.constant 0 : i32
      %dma_start3A_36 = tpu.memref_slice %arg16[%add3A_17, %dma_start3A] : memref<10240x16xf32, #tpu.memory_space<vmem_shared>> -> memref<128x16xf32, #tpu.memory_space<vmem_shared>>
      %dma_start3A_37 = arith.constant 0 : i32
      %dma_start3A_38 = tpu.memref_slice %arg16[%add3A_17, %dma_start3A_37] : memref<10240x16xf32, #tpu.memory_space<vmem_shared>> -> memref<128x16xf32, #tpu.memory_space<vmem_shared>>
      tpu.enqueue_dma source(%arg14 : memref<128x16xf32, #tpu.memory_space<vmem>>) target(%dma_start3A_38 : memref<128x16xf32, #tpu.memory_space<vmem_shared>>) target_semaphore(%run_scoped3A : memref<!tpu.dma_semaphore, #tpu.memory_space<semaphore_mem>>)
      %dma_wait3A = arith.constant 0 : i32
      %dma_wait3A_39 = tpu.memref_slice %arg16[%add3A_17, %dma_wait3A] : memref<10240x16xf32, #tpu.memory_space<vmem_shared>> -> memref<128x16xf32, #tpu.memory_space<vmem_shared>>
      %dma_wait3A_40 = arith.constant 0 : i32
      %dma_wait3A_41 = tpu.memref_slice %arg16[%add3A_17, %dma_wait3A_40] : memref<10240x16xf32, #tpu.memory_space<vmem_shared>> -> memref<128x16xf32, #tpu.memory_space<vmem_shared>>
      tpu.wait_dma2 semaphore(%run_scoped3A : memref<!tpu.dma_semaphore, #tpu.memory_space<semaphore_mem>>) src(%arg14 : memref<128x16xf32, #tpu.memory_space<vmem>>) dst(%dma_wait3A_41 : memref<128x16xf32, #tpu.memory_space<vmem_shared>>)
      tpu.yield
    }) : () -> ()
    %mul3A_18 = arith.constant 640 : i32
    %mul3A_19 = arith.muli %arg1, %mul3A_18 : i32
    %add3A_20 = arith.constant 384 : i32
    %add3A_21 = arith.addi %mul3A_19, %add3A_20 : i32
    "tpu.region"() ({
      %run_scoped3A = tpu.sem_alloc : memref<!tpu.dma_semaphore, #tpu.memory_space<semaphore_mem>>
      %dma_start3A = arith.constant 0 : i32
      %dma_start3A_36 = tpu.memref_slice %arg15[%add3A_21, %dma_start3A] : memref<10240x64xf32, #tpu.memory_space<vmem_shared>> -> memref<128x64xf32, #tpu.memory_space<vmem_shared>>
      %dma_start3A_37 = arith.constant 0 : i32
      %dma_start3A_38 = tpu.memref_slice %arg15[%add3A_21, %dma_start3A_37] : memref<10240x64xf32, #tpu.memory_space<vmem_shared>> -> memref<128x64xf32, #tpu.memory_space<vmem_shared>>
      tpu.enqueue_dma source(%arg13 : memref<128x64xf32, #tpu.memory_space<vmem>>) target(%dma_start3A_38 : memref<128x64xf32, #tpu.memory_space<vmem_shared>>) target_semaphore(%run_scoped3A : memref<!tpu.dma_semaphore, #tpu.memory_space<semaphore_mem>>)
      %dma_wait3A = arith.constant 0 : i32
      %dma_wait3A_39 = tpu.memref_slice %arg15[%add3A_21, %dma_wait3A] : memref<10240x64xf32, #tpu.memory_space<vmem_shared>> -> memref<128x64xf32, #tpu.memory_space<vmem_shared>>
      %dma_wait3A_40 = arith.constant 0 : i32
      %dma_wait3A_41 = tpu.memref_slice %arg15[%add3A_21, %dma_wait3A_40] : memref<10240x64xf32, #tpu.memory_space<vmem_shared>> -> memref<128x64xf32, #tpu.memory_space<vmem_shared>>
      tpu.wait_dma2 semaphore(%run_scoped3A : memref<!tpu.dma_semaphore, #tpu.memory_space<semaphore_mem>>) src(%arg13 : memref<128x64xf32, #tpu.memory_space<vmem>>) dst(%dma_wait3A_41 : memref<128x64xf32, #tpu.memory_space<vmem_shared>>)
      tpu.yield
    }) : () -> ()
    "tpu.region"() ({
      %run_scoped3A = tpu.sem_alloc : memref<!tpu.dma_semaphore, #tpu.memory_space<semaphore_mem>>
      %dma_start3A = arith.constant 0 : i32
      %dma_start3A_36 = tpu.memref_slice %arg16[%add3A_21, %dma_start3A] : memref<10240x16xf32, #tpu.memory_space<vmem_shared>> -> memref<128x16xf32, #tpu.memory_space<vmem_shared>>
      %dma_start3A_37 = arith.constant 0 : i32
      %dma_start3A_38 = tpu.memref_slice %arg16[%add3A_21, %dma_start3A_37] : memref<10240x16xf32, #tpu.memory_space<vmem_shared>> -> memref<128x16xf32, #tpu.memory_space<vmem_shared>>
      tpu.enqueue_dma source(%arg14 : memref<128x16xf32, #tpu.memory_space<vmem>>) target(%dma_start3A_38 : memref<128x16xf32, #tpu.memory_space<vmem_shared>>) target_semaphore(%run_scoped3A : memref<!tpu.dma_semaphore, #tpu.memory_space<semaphore_mem>>)
      %dma_wait3A = arith.constant 0 : i32
      %dma_wait3A_39 = tpu.memref_slice %arg16[%add3A_21, %dma_wait3A] : memref<10240x16xf32, #tpu.memory_space<vmem_shared>> -> memref<128x16xf32, #tpu.memory_space<vmem_shared>>
      %dma_wait3A_40 = arith.constant 0 : i32
      %dma_wait3A_41 = tpu.memref_slice %arg16[%add3A_21, %dma_wait3A_40] : memref<10240x16xf32, #tpu.memory_space<vmem_shared>> -> memref<128x16xf32, #tpu.memory_space<vmem_shared>>
      tpu.wait_dma2 semaphore(%run_scoped3A : memref<!tpu.dma_semaphore, #tpu.memory_space<semaphore_mem>>) src(%arg14 : memref<128x16xf32, #tpu.memory_space<vmem>>) dst(%dma_wait3A_41 : memref<128x16xf32, #tpu.memory_space<vmem_shared>>)
      tpu.yield
    }) : () -> ()
    %mul3A_22 = arith.constant 640 : i32
    %mul3A_23 = arith.muli %arg1, %mul3A_22 : i32
    %add3A_24 = arith.constant 512 : i32
    %add3A_25 = arith.addi %mul3A_23, %add3A_24 : i32
    "tpu.region"() ({
      %run_scoped3A = tpu.sem_alloc : memref<!tpu.dma_semaphore, #tpu.memory_space<semaphore_mem>>
      %dma_start3A = arith.constant 0 : i32
      %dma_start3A_36 = tpu.memref_slice %arg15[%add3A_25, %dma_start3A] : memref<10240x64xf32, #tpu.memory_space<vmem_shared>> -> memref<128x64xf32, #tpu.memory_space<vmem_shared>>
      %dma_start3A_37 = arith.constant 0 : i32
      %dma_start3A_38 = tpu.memref_slice %arg15[%add3A_25, %dma_start3A_37] : memref<10240x64xf32, #tpu.memory_space<vmem_shared>> -> memref<128x64xf32, #tpu.memory_space<vmem_shared>>
      tpu.enqueue_dma source(%arg13 : memref<128x64xf32, #tpu.memory_space<vmem>>) target(%dma_start3A_38 : memref<128x64xf32, #tpu.memory_space<vmem_shared>>) target_semaphore(%run_scoped3A : memref<!tpu.dma_semaphore, #tpu.memory_space<semaphore_mem>>)
      %dma_wait3A = arith.constant 0 : i32
      %dma_wait3A_39 = tpu.memref_slice %arg15[%add3A_25, %dma_wait3A] : memref<10240x64xf32, #tpu.memory_space<vmem_shared>> -> memref<128x64xf32, #tpu.memory_space<vmem_shared>>
      %dma_wait3A_40 = arith.constant 0 : i32
      %dma_wait3A_41 = tpu.memref_slice %arg15[%add3A_25, %dma_wait3A_40] : memref<10240x64xf32, #tpu.memory_space<vmem_shared>> -> memref<128x64xf32, #tpu.memory_space<vmem_shared>>
      tpu.wait_dma2 semaphore(%run_scoped3A : memref<!tpu.dma_semaphore, #tpu.memory_space<semaphore_mem>>) src(%arg13 : memref<128x64xf32, #tpu.memory_space<vmem>>) dst(%dma_wait3A_41 : memref<128x64xf32, #tpu.memory_space<vmem_shared>>)
      tpu.yield
    }) : () -> ()
    "tpu.region"() ({
      %run_scoped3A = tpu.sem_alloc : memref<!tpu.dma_semaphore, #tpu.memory_space<semaphore_mem>>
      %dma_start3A = arith.constant 0 : i32
      %dma_start3A_36 = tpu.memref_slice %arg16[%add3A_25, %dma_start3A] : memref<10240x16xf32, #tpu.memory_space<vmem_shared>> -> memref<128x16xf32, #tpu.memory_space<vmem_shared>>
      %dma_start3A_37 = arith.constant 0 : i32
      %dma_start3A_38 = tpu.memref_slice %arg16[%add3A_25, %dma_start3A_37] : memref<10240x16xf32, #tpu.memory_space<vmem_shared>> -> memref<128x16xf32, #tpu.memory_space<vmem_shared>>
      tpu.enqueue_dma source(%arg14 : memref<128x16xf32, #tpu.memory_space<vmem>>) target(%dma_start3A_38 : memref<128x16xf32, #tpu.memory_space<vmem_shared>>) target_semaphore(%run_scoped3A : memref<!tpu.dma_semaphore, #tpu.memory_space<semaphore_mem>>)
      %dma_wait3A = arith.constant 0 : i32
      %dma_wait3A_39 = tpu.memref_slice %arg16[%add3A_25, %dma_wait3A] : memref<10240x16xf32, #tpu.memory_space<vmem_shared>> -> memref<128x16xf32, #tpu.memory_space<vmem_shared>>
      %dma_wait3A_40 = arith.constant 0 : i32
      %dma_wait3A_41 = tpu.memref_slice %arg16[%add3A_25, %dma_wait3A_40] : memref<10240x16xf32, #tpu.memory_space<vmem_shared>> -> memref<128x16xf32, #tpu.memory_space<vmem_shared>>
      tpu.wait_dma2 semaphore(%run_scoped3A : memref<!tpu.dma_semaphore, #tpu.memory_space<semaphore_mem>>) src(%arg14 : memref<128x16xf32, #tpu.memory_space<vmem>>) dst(%dma_wait3A_41 : memref<128x16xf32, #tpu.memory_space<vmem_shared>>)
      tpu.yield
    }) : () -> ()
    %barrier3A = arith.constant 0 : index
    tpu.barrier barrier_id(%barrier3A)
    %scan3A_26 = arith.constant 0 : i32
    %scan3A_27 = arith.constant 0 : i32
    %scan3A_28 = arith.constant 157 : i32
    %scan3A_29 = arith.addi %scan3A_27, %scan3A_28 : i32
    %scan3A_30 = arith.constant 1 : i32
    %scan3A_31 = scf.for %scan3A_36 = %scan3A_27 to %scan3A_29 step %scan3A_30 iter_args(%scan3A_37 = %scan3A_26) -> (i32)  : i32 {
      %mul3A_38 = arith.constant 20096 : i32
      %mul3A_39 = arith.muli %arg1, %mul3A_38 : i32
      %mul3A_40 = arith.constant 128 : i32
      %mul3A_41 = arith.muli %scan3A_36, %mul3A_40 : i32
      %add3A_42 = arith.addi %mul3A_39, %mul3A_41 : i32
      "tpu.region"() ({
        %run_scoped3A = tpu.sem_alloc : memref<!tpu.dma_semaphore, #tpu.memory_space<semaphore_mem>>
        %dma_start3A_198 = tpu.memref_slice %arg4[%add3A_42] : memref<321536xi32, #tpu.memory_space<hbm>> -> memref<128xi32, #tpu.memory_space<hbm>>
        %dma_start3A_199 = tpu.memref_slice %arg4[%add3A_42] : memref<321536xi32, #tpu.memory_space<hbm>> -> memref<128xi32, #tpu.memory_space<hbm>>
        tpu.enqueue_dma source(%dma_start3A_199 : memref<128xi32, #tpu.memory_space<hbm>>) target(%arg8 : memref<128xi32, #tpu.memory_space<vmem>>) target_semaphore(%run_scoped3A : memref<!tpu.dma_semaphore, #tpu.memory_space<semaphore_mem>>)
        %dma_wait3A_200 = tpu.memref_slice %arg4[%add3A_42] : memref<321536xi32, #tpu.memory_space<hbm>> -> memref<128xi32, #tpu.memory_space<hbm>>
        %dma_wait3A_201 = tpu.memref_slice %arg4[%add3A_42] : memref<321536xi32, #tpu.memory_space<hbm>> -> memref<128xi32, #tpu.memory_space<hbm>>
        tpu.wait_dma2 semaphore(%run_scoped3A : memref<!tpu.dma_semaphore, #tpu.memory_space<semaphore_mem>>) src(%dma_wait3A_201 : memref<128xi32, #tpu.memory_space<hbm>>) dst(%arg8 : memref<128xi32, #tpu.memory_space<vmem>>)
        tpu.yield
      }) : () -> ()
      "tpu.region"() ({
        %run_scoped3A = tpu.sem_alloc : memref<!tpu.dma_semaphore, #tpu.memory_space<semaphore_mem>>
        %dma_start3A_198 = tpu.memref_slice %arg5[%add3A_42] : memref<321536xi32, #tpu.memory_space<hbm>> -> memref<128xi32, #tpu.memory_space<hbm>>
        %dma_start3A_199 = tpu.memref_slice %arg5[%add3A_42] : memref<321536xi32, #tpu.memory_space<hbm>> -> memref<128xi32, #tpu.memory_space<hbm>>
        tpu.enqueue_dma source(%dma_start3A_199 : memref<128xi32, #tpu.memory_space<hbm>>) target(%arg9 : memref<128xi32, #tpu.memory_space<vmem>>) target_semaphore(%run_scoped3A : memref<!tpu.dma_semaphore, #tpu.memory_space<semaphore_mem>>)
        %dma_wait3A_200 = tpu.memref_slice %arg5[%add3A_42] : memref<321536xi32, #tpu.memory_space<hbm>> -> memref<128xi32, #tpu.memory_space<hbm>>
        %dma_wait3A_201 = tpu.memref_slice %arg5[%add3A_42] : memref<321536xi32, #tpu.memory_space<hbm>> -> memref<128xi32, #tpu.memory_space<hbm>>
        tpu.wait_dma2 semaphore(%run_scoped3A : memref<!tpu.dma_semaphore, #tpu.memory_space<semaphore_mem>>) src(%dma_wait3A_201 : memref<128xi32, #tpu.memory_space<hbm>>) dst(%arg9 : memref<128xi32, #tpu.memory_space<vmem>>)
        tpu.yield
      }) : () -> ()
      %get3A = arith.constant 0 : index
      %get3A_43 = tpu.vector_load %arg8[%get3A] {strides = array<i32>} : memref<128xi32, #tpu.memory_space<vmem>>, vector<16xi32>,
      %get3A_44 = vector.shape_cast %get3A_43 : vector<16xi32> to vector<16xi32>
      %add3A_45 = vector.broadcast %mul3A_0 : i32 to vector<16xi32>
      %add3A_46 = arith.addi %get3A_44, %add3A_45 : vector<16xi32>
      %swap3A = arith.constant 0 : index
      %swap3A_47 = tpu.vector_load %arg8[%swap3A] {strides = array<i32>} : memref<128xi32, #tpu.memory_space<vmem>>, vector<16xi32>,
      %swap3A_48 = vector.shape_cast %swap3A_47 : vector<16xi32> to vector<16xi32>
      %swap3A_49 = vector.shape_cast %add3A_46 : vector<16xi32> to vector<16xi32>
      tpu.vector_store %arg8[%swap3A], %swap3A_49 {strides = array<i32>} : memref<128xi32, #tpu.memory_space<vmem>>, vector<16xi32>,
      %get3A_50 = arith.constant 0 : index
      %get3A_51 = tpu.vector_load %arg9[%get3A_50] {strides = array<i32>} : memref<128xi32, #tpu.memory_space<vmem>>, vector<16xi32>,
      %get3A_52 = vector.shape_cast %get3A_51 : vector<16xi32> to vector<16xi32>
      %add3A_53 = vector.broadcast %mul3A_0 : i32 to vector<16xi32>
      %add3A_54 = arith.addi %get3A_52, %add3A_53 : vector<16xi32>
      %swap3A_55 = arith.constant 0 : index
      %swap3A_56 = tpu.vector_load %arg10[%swap3A_55] {strides = array<i32>} : memref<128xi32, #tpu.memory_space<vmem>>, vector<16xi32>,
      %swap3A_57 = vector.shape_cast %swap3A_56 : vector<16xi32> to vector<16xi32>
      %swap3A_58 = vector.shape_cast %add3A_54 : vector<16xi32> to vector<16xi32>
      tpu.vector_store %arg10[%swap3A_55], %swap3A_58 {strides = array<i32>} : memref<128xi32, #tpu.memory_space<vmem>>, vector<16xi32>,
      %get3A_59 = arith.constant 16 : index
      %get3A_60 = tpu.vector_load %arg8[%get3A_59] {strides = array<i32>} : memref<128xi32, #tpu.memory_space<vmem>>, vector<16xi32>,
      %get3A_61 = vector.shape_cast %get3A_60 : vector<16xi32> to vector<16xi32>
      %add3A_62 = vector.broadcast %mul3A_0 : i32 to vector<16xi32>
      %add3A_63 = arith.addi %get3A_61, %add3A_62 : vector<16xi32>
      %swap3A_64 = arith.constant 16 : index
      %swap3A_65 = tpu.vector_load %arg8[%swap3A_64] {strides = array<i32>} : memref<128xi32, #tpu.memory_space<vmem>>, vector<16xi32>,
      %swap3A_66 = vector.shape_cast %swap3A_65 : vector<16xi32> to vector<16xi32>
      %swap3A_67 = vector.shape_cast %add3A_63 : vector<16xi32> to vector<16xi32>
      tpu.vector_store %arg8[%swap3A_64], %swap3A_67 {strides = array<i32>} : memref<128xi32, #tpu.memory_space<vmem>>, vector<16xi32>,
      %get3A_68 = arith.constant 16 : index
      %get3A_69 = tpu.vector_load %arg9[%get3A_68] {strides = array<i32>} : memref<128xi32, #tpu.memory_space<vmem>>, vector<16xi32>,
      %get3A_70 = vector.shape_cast %get3A_69 : vector<16xi32> to vector<16xi32>
      %add3A_71 = vector.broadcast %mul3A_0 : i32 to vector<16xi32>
      %add3A_72 = arith.addi %get3A_70, %add3A_71 : vector<16xi32>
      %swap3A_73 = arith.constant 16 : index
      %swap3A_74 = tpu.vector_load %arg10[%swap3A_73] {strides = array<i32>} : memref<128xi32, #tpu.memory_space<vmem>>, vector<16xi32>,
      %swap3A_75 = vector.shape_cast %swap3A_74 : vector<16xi32> to vector<16xi32>
      %swap3A_76 = vector.shape_cast %add3A_72 : vector<16xi32> to vector<16xi32>
      tpu.vector_store %arg10[%swap3A_73], %swap3A_76 {strides = array<i32>} : memref<128xi32, #tpu.memory_space<vmem>>, vector<16xi32>,
      %get3A_77 = arith.constant 32 : index
      %get3A_78 = tpu.vector_load %arg8[%get3A_77] {strides = array<i32>} : memref<128xi32, #tpu.memory_space<vmem>>, vector<16xi32>,
      %get3A_79 = vector.shape_cast %get3A_78 : vector<16xi32> to vector<16xi32>
      %add3A_80 = vector.broadcast %mul3A_0 : i32 to vector<16xi32>
      %add3A_81 = arith.addi %get3A_79, %add3A_80 : vector<16xi32>
      %swap3A_82 = arith.constant 32 : index
      %swap3A_83 = tpu.vector_load %arg8[%swap3A_82] {strides = array<i32>} : memref<128xi32, #tpu.memory_space<vmem>>, vector<16xi32>,
      %swap3A_84 = vector.shape_cast %swap3A_83 : vector<16xi32> to vector<16xi32>
      %swap3A_85 = vector.shape_cast %add3A_81 : vector<16xi32> to vector<16xi32>
      tpu.vector_store %arg8[%swap3A_82], %swap3A_85 {strides = array<i32>} : memref<128xi32, #tpu.memory_space<vmem>>, vector<16xi32>,
      %get3A_86 = arith.constant 32 : index
      %get3A_87 = tpu.vector_load %arg9[%get3A_86] {strides = array<i32>} : memref<128xi32, #tpu.memory_space<vmem>>, vector<16xi32>,
      %get3A_88 = vector.shape_cast %get3A_87 : vector<16xi32> to vector<16xi32>
      %add3A_89 = vector.broadcast %mul3A_0 : i32 to vector<16xi32>
      %add3A_90 = arith.addi %get3A_88, %add3A_89 : vector<16xi32>
      %swap3A_91 = arith.constant 32 : index
      %swap3A_92 = tpu.vector_load %arg10[%swap3A_91] {strides = array<i32>} : memref<128xi32, #tpu.memory_space<vmem>>, vector<16xi32>,
      %swap3A_93 = vector.shape_cast %swap3A_92 : vector<16xi32> to vector<16xi32>
      %swap3A_94 = vector.shape_cast %add3A_90 : vector<16xi32> to vector<16xi32>
      tpu.vector_store %arg10[%swap3A_91], %swap3A_94 {strides = array<i32>} : memref<128xi32, #tpu.memory_space<vmem>>, vector<16xi32>,
      %get3A_95 = arith.constant 48 : index
      %get3A_96 = tpu.vector_load %arg8[%get3A_95] {strides = array<i32>} : memref<128xi32, #tpu.memory_space<vmem>>, vector<16xi32>,
      %get3A_97 = vector.shape_cast %get3A_96 : vector<16xi32> to vector<16xi32>
      %add3A_98 = vector.broadcast %mul3A_0 : i32 to vector<16xi32>
      %add3A_99 = arith.addi %get3A_97, %add3A_98 : vector<16xi32>
      %swap3A_100 = arith.constant 48 : index
      %swap3A_101 = tpu.vector_load %arg8[%swap3A_100] {strides = array<i32>} : memref<128xi32, #tpu.memory_space<vmem>>, vector<16xi32>,
      %swap3A_102 = vector.shape_cast %swap3A_101 : vector<16xi32> to vector<16xi32>
      %swap3A_103 = vector.shape_cast %add3A_99 : vector<16xi32> to vector<16xi32>
      tpu.vector_store %arg8[%swap3A_100], %swap3A_103 {strides = array<i32>} : memref<128xi32, #tpu.memory_space<vmem>>, vector<16xi32>,
      %get3A_104 = arith.constant 48 : index
      %get3A_105 = tpu.vector_load %arg9[%get3A_104] {strides = array<i32>} : memref<128xi32, #tpu.memory_space<vmem>>, vector<16xi32>,
      %get3A_106 = vector.shape_cast %get3A_105 : vector<16xi32> to vector<16xi32>
      %add3A_107 = vector.broadcast %mul3A_0 : i32 to vector<16xi32>
      %add3A_108 = arith.addi %get3A_106, %add3A_107 : vector<16xi32>
      %swap3A_109 = arith.constant 48 : index
      %swap3A_110 = tpu.vector_load %arg10[%swap3A_109] {strides = array<i32>} : memref<128xi32, #tpu.memory_space<vmem>>, vector<16xi32>,
      %swap3A_111 = vector.shape_cast %swap3A_110 : vector<16xi32> to vector<16xi32>
      %swap3A_112 = vector.shape_cast %add3A_108 : vector<16xi32> to vector<16xi32>
      tpu.vector_store %arg10[%swap3A_109], %swap3A_112 {strides = array<i32>} : memref<128xi32, #tpu.memory_space<vmem>>, vector<16xi32>,
      %get3A_113 = arith.constant 64 : index
      %get3A_114 = tpu.vector_load %arg8[%get3A_113] {strides = array<i32>} : memref<128xi32, #tpu.memory_space<vmem>>, vector<16xi32>,
      %get3A_115 = vector.shape_cast %get3A_114 : vector<16xi32> to vector<16xi32>
      %add3A_116 = vector.broadcast %mul3A_0 : i32 to vector<16xi32>
      %add3A_117 = arith.addi %get3A_115, %add3A_116 : vector<16xi32>
      %swap3A_118 = arith.constant 64 : index
      %swap3A_119 = tpu.vector_load %arg8[%swap3A_118] {strides = array<i32>} : memref<128xi32, #tpu.memory_space<vmem>>, vector<16xi32>,
      %swap3A_120 = vector.shape_cast %swap3A_119 : vector<16xi32> to vector<16xi32>
      %swap3A_121 = vector.shape_cast %add3A_117 : vector<16xi32> to vector<16xi32>
      tpu.vector_store %arg8[%swap3A_118], %swap3A_121 {strides = array<i32>} : memref<128xi32, #tpu.memory_space<vmem>>, vector<16xi32>,
      %get3A_122 = arith.constant 64 : index
      %get3A_123 = tpu.vector_load %arg9[%get3A_122] {strides = array<i32>} : memref<128xi32, #tpu.memory_space<vmem>>, vector<16xi32>,
      %get3A_124 = vector.shape_cast %get3A_123 : vector<16xi32> to vector<16xi32>
      %add3A_125 = vector.broadcast %mul3A_0 : i32 to vector<16xi32>
      %add3A_126 = arith.addi %get3A_124, %add3A_125 : vector<16xi32>
      %swap3A_127 = arith.constant 64 : index
      %swap3A_128 = tpu.vector_load %arg10[%swap3A_127] {strides = array<i32>} : memref<128xi32, #tpu.memory_space<vmem>>, vector<16xi32>,
      %swap3A_129 = vector.shape_cast %swap3A_128 : vector<16xi32> to vector<16xi32>
      %swap3A_130 = vector.shape_cast %add3A_126 : vector<16xi32> to vector<16xi32>
      tpu.vector_store %arg10[%swap3A_127], %swap3A_130 {strides = array<i32>} : memref<128xi32, #tpu.memory_space<vmem>>, vector<16xi32>,
      %get3A_131 = arith.constant 80 : index
      %get3A_132 = tpu.vector_load %arg8[%get3A_131] {strides = array<i32>} : memref<128xi32, #tpu.memory_space<vmem>>, vector<16xi32>,
      %get3A_133 = vector.shape_cast %get3A_132 : vector<16xi32> to vector<16xi32>
      %add3A_134 = vector.broadcast %mul3A_0 : i32 to vector<16xi32>
      %add3A_135 = arith.addi %get3A_133, %add3A_134 : vector<16xi32>
      %swap3A_136 = arith.constant 80 : index
      %swap3A_137 = tpu.vector_load %arg8[%swap3A_136] {strides = array<i32>} : memref<128xi32, #tpu.memory_space<vmem>>, vector<16xi32>,
      %swap3A_138 = vector.shape_cast %swap3A_137 : vector<16xi32> to vector<16xi32>
      %swap3A_139 = vector.shape_cast %add3A_135 : vector<16xi32> to vector<16xi32>
      tpu.vector_store %arg8[%swap3A_136], %swap3A_139 {strides = array<i32>} : memref<128xi32, #tpu.memory_space<vmem>>, vector<16xi32>,
      %get3A_140 = arith.constant 80 : index
      %get3A_141 = tpu.vector_load %arg9[%get3A_140] {strides = array<i32>} : memref<128xi32, #tpu.memory_space<vmem>>, vector<16xi32>,
      %get3A_142 = vector.shape_cast %get3A_141 : vector<16xi32> to vector<16xi32>
      %add3A_143 = vector.broadcast %mul3A_0 : i32 to vector<16xi32>
      %add3A_144 = arith.addi %get3A_142, %add3A_143 : vector<16xi32>
      %swap3A_145 = arith.constant 80 : index
      %swap3A_146 = tpu.vector_load %arg10[%swap3A_145] {strides = array<i32>} : memref<128xi32, #tpu.memory_space<vmem>>, vector<16xi32>,
      %swap3A_147 = vector.shape_cast %swap3A_146 : vector<16xi32> to vector<16xi32>
      %swap3A_148 = vector.shape_cast %add3A_144 : vector<16xi32> to vector<16xi32>
      tpu.vector_store %arg10[%swap3A_145], %swap3A_148 {strides = array<i32>} : memref<128xi32, #tpu.memory_space<vmem>>, vector<16xi32>,
      %get3A_149 = arith.constant 96 : index
      %get3A_150 = tpu.vector_load %arg8[%get3A_149] {strides = array<i32>} : memref<128xi32, #tpu.memory_space<vmem>>, vector<16xi32>,
      %get3A_151 = vector.shape_cast %get3A_150 : vector<16xi32> to vector<16xi32>
      %add3A_152 = vector.broadcast %mul3A_0 : i32 to vector<16xi32>
      %add3A_153 = arith.addi %get3A_151, %add3A_152 : vector<16xi32>
      %swap3A_154 = arith.constant 96 : index
      %swap3A_155 = tpu.vector_load %arg8[%swap3A_154] {strides = array<i32>} : memref<128xi32, #tpu.memory_space<vmem>>, vector<16xi32>,
      %swap3A_156 = vector.shape_cast %swap3A_155 : vector<16xi32> to vector<16xi32>
      %swap3A_157 = vector.shape_cast %add3A_153 : vector<16xi32> to vector<16xi32>
      tpu.vector_store %arg8[%swap3A_154], %swap3A_157 {strides = array<i32>} : memref<128xi32, #tpu.memory_space<vmem>>, vector<16xi32>,
      %get3A_158 = arith.constant 96 : index
      %get3A_159 = tpu.vector_load %arg9[%get3A_158] {strides = array<i32>} : memref<128xi32, #tpu.memory_space<vmem>>, vector<16xi32>,
      %get3A_160 = vector.shape_cast %get3A_159 : vector<16xi32> to vector<16xi32>
      %add3A_161 = vector.broadcast %mul3A_0 : i32 to vector<16xi32>
      %add3A_162 = arith.addi %get3A_160, %add3A_161 : vector<16xi32>
      %swap3A_163 = arith.constant 96 : index
      %swap3A_164 = tpu.vector_load %arg10[%swap3A_163] {strides = array<i32>} : memref<128xi32, #tpu.memory_space<vmem>>, vector<16xi32>,
      %swap3A_165 = vector.shape_cast %swap3A_164 : vector<16xi32> to vector<16xi32>
      %swap3A_166 = vector.shape_cast %add3A_162 : vector<16xi32> to vector<16xi32>
      tpu.vector_store %arg10[%swap3A_163], %swap3A_166 {strides = array<i32>} : memref<128xi32, #tpu.memory_space<vmem>>, vector<16xi32>,
      %get3A_167 = arith.constant 112 : index
      %get3A_168 = tpu.vector_load %arg8[%get3A_167] {strides = array<i32>} : memref<128xi32, #tpu.memory_space<vmem>>, vector<16xi32>,
      %get3A_169 = vector.shape_cast %get3A_168 : vector<16xi32> to vector<16xi32>
      %add3A_170 = vector.broadcast %mul3A_0 : i32 to vector<16xi32>
      %add3A_171 = arith.addi %get3A_169, %add3A_170 : vector<16xi32>
      %swap3A_172 = arith.constant 112 : index
      %swap3A_173 = tpu.vector_load %arg8[%swap3A_172] {strides = array<i32>} : memref<128xi32, #tpu.memory_space<vmem>>, vector<16xi32>,
      %swap3A_174 = vector.shape_cast %swap3A_173 : vector<16xi32> to vector<16xi32>
      %swap3A_175 = vector.shape_cast %add3A_171 : vector<16xi32> to vector<16xi32>
      tpu.vector_store %arg8[%swap3A_172], %swap3A_175 {strides = array<i32>} : memref<128xi32, #tpu.memory_space<vmem>>, vector<16xi32>,
      %get3A_176 = arith.constant 112 : index
      %get3A_177 = tpu.vector_load %arg9[%get3A_176] {strides = array<i32>} : memref<128xi32, #tpu.memory_space<vmem>>, vector<16xi32>,
      %get3A_178 = vector.shape_cast %get3A_177 : vector<16xi32> to vector<16xi32>
      %add3A_179 = vector.broadcast %mul3A_0 : i32 to vector<16xi32>
      %add3A_180 = arith.addi %get3A_178, %add3A_179 : vector<16xi32>
      %swap3A_181 = arith.constant 112 : index
      %swap3A_182 = tpu.vector_load %arg10[%swap3A_181] {strides = array<i32>} : memref<128xi32, #tpu.memory_space<vmem>>, vector<16xi32>,
      %swap3A_183 = vector.shape_cast %swap3A_182 : vector<16xi32> to vector<16xi32>
      %swap3A_184 = vector.shape_cast %add3A_180 : vector<16xi32> to vector<16xi32>
      tpu.vector_store %arg10[%swap3A_181], %swap3A_184 {strides = array<i32>} : memref<128xi32, #tpu.memory_space<vmem>>, vector<16xi32>,
      %dma_start3A = arith.constant 0 : i32
      %dma_start3A_185 = arith.constant 0 : i32
      %dma_start3A_186 = tpu.memref_slice %arg2[%dma_start3A, %dma_start3A_185] : memref<20480x64xf32, #tpu.memory_space<hbm>> -> memref<20480x64xf32, #tpu.memory_space<hbm>>
      tpu.enqueue_indirect_dma source(%dma_start3A_186 : memref<20480x64xf32, #tpu.memory_space<hbm>>) target(%arg11 : memref<128x64xf32, #tpu.memory_space<vmem>>) offsets(%arg10 : memref<128xi32, #tpu.memory_space<vmem>>) semaphore(%arg17 : memref<!tpu.dma_semaphore, #tpu.memory_space<semaphore_mem>>)
      %dma_start3A_187 = arith.constant 0 : i32
      %dma_start3A_188 = arith.constant 0 : i32
      %dma_start3A_189 = tpu.memref_slice %arg3[%dma_start3A_187, %dma_start3A_188] : memref<20480x128xf32, #tpu.memory_space<hbm>> -> memref<20480x128xf32, #tpu.memory_space<hbm>>
      tpu.enqueue_indirect_dma source(%dma_start3A_189 : memref<20480x128xf32, #tpu.memory_space<hbm>>) target(%arg12 : memref<128x128xf32, #tpu.memory_space<vmem>>) offsets(%arg8 : memref<128xi32, #tpu.memory_space<vmem>>) semaphore(%arg18 : memref<!tpu.dma_semaphore, #tpu.memory_space<semaphore_mem>>)
      %dma_wait3A = arith.constant 0 : i32
      %dma_wait3A_190 = arith.constant 0 : i32
      %dma_wait3A_191 = tpu.memref_slice %arg2[%dma_wait3A, %dma_wait3A_190] : memref<20480x64xf32, #tpu.memory_space<hbm>> -> memref<20480x64xf32, #tpu.memory_space<hbm>>
      tpu.wait_indirect_dma semaphore(%arg17 : memref<!tpu.dma_semaphore, #tpu.memory_space<semaphore_mem>>) src(%dma_wait3A_191 : memref<20480x64xf32, #tpu.memory_space<hbm>>) dst(%arg11 : memref<128x64xf32, #tpu.memory_space<vmem>>)
      %dma_wait3A_192 = arith.constant 0 : i32
      %dma_wait3A_193 = arith.constant 0 : i32
      %dma_wait3A_194 = tpu.memref_slice %arg3[%dma_wait3A_192, %dma_wait3A_193] : memref<20480x128xf32, #tpu.memory_space<hbm>> -> memref<20480x128xf32, #tpu.memory_space<hbm>>
      tpu.wait_indirect_dma semaphore(%arg18 : memref<!tpu.dma_semaphore, #tpu.memory_space<semaphore_mem>>) src(%dma_wait3A_194 : memref<20480x128xf32, #tpu.memory_space<hbm>>) dst(%arg12 : memref<128x128xf32, #tpu.memory_space<vmem>>)
      %parallel_loop3A = arith.constant 0 : i32
      %parallel_loop3A_195 = arith.constant 128 : i32
      %parallel_loop3A_196 = arith.constant 1 : i32
      scf.for %parallel_loop3A_198 = %parallel_loop3A to %parallel_loop3A_195 step %parallel_loop3A_196  : i32 {
        %parallel_loop3A_199 = arith.index_cast %parallel_loop3A_198 : i32 to index
        %parallel_loop3A_200 = arith.constant 0 : index
        %parallel_loop3A_201 = tpu.vector_load %arg11[%parallel_loop3A_199, %parallel_loop3A_200] {strides = array<i32>} : memref<128x64xf32, #tpu.memory_space<vmem>>, vector<1x16xf32>,
        %parallel_loop3A_202 = vector.shape_cast %parallel_loop3A_201 : vector<1x16xf32> to vector<16xf32>
        %parallel_loop3A_203 = arith.index_cast %parallel_loop3A_198 : i32 to index
        %parallel_loop3A_204 = arith.constant 0 : index
        %parallel_loop3A_205 = tpu.vector_load %arg12[%parallel_loop3A_203, %parallel_loop3A_204] {strides = array<i32>} : memref<128x128xf32, #tpu.memory_space<vmem>>, vector<1x16xf32>,
        %parallel_loop3A_206 = vector.shape_cast %parallel_loop3A_205 : vector<1x16xf32> to vector<16xf32>
        %parallel_loop3A_207 = arith.mulf %parallel_loop3A_202, %parallel_loop3A_206 : vector<16xf32>
        %parallel_loop3A_208 = arith.index_cast %parallel_loop3A_198 : i32 to index
        %parallel_loop3A_209 = arith.constant 16 : index
        %parallel_loop3A_210 = tpu.vector_load %arg11[%parallel_loop3A_208, %parallel_loop3A_209] {strides = array<i32>} : memref<128x64xf32, #tpu.memory_space<vmem>>, vector<1x16xf32>,
        %parallel_loop3A_211 = vector.shape_cast %parallel_loop3A_210 : vector<1x16xf32> to vector<16xf32>
        %parallel_loop3A_212 = arith.index_cast %parallel_loop3A_198 : i32 to index
        %parallel_loop3A_213 = arith.constant 16 : index
        %parallel_loop3A_214 = tpu.vector_load %arg12[%parallel_loop3A_212, %parallel_loop3A_213] {strides = array<i32>} : memref<128x128xf32, #tpu.memory_space<vmem>>, vector<1x16xf32>,
        %parallel_loop3A_215 = vector.shape_cast %parallel_loop3A_214 : vector<1x16xf32> to vector<16xf32>
        %parallel_loop3A_216 = arith.mulf %parallel_loop3A_211, %parallel_loop3A_215 : vector<16xf32>
        %parallel_loop3A_217 = arith.addf %parallel_loop3A_207, %parallel_loop3A_216 : vector<16xf32>
        %parallel_loop3A_218 = arith.index_cast %parallel_loop3A_198 : i32 to index
        %parallel_loop3A_219 = arith.constant 32 : index
        %parallel_loop3A_220 = tpu.vector_load %arg11[%parallel_loop3A_218, %parallel_loop3A_219] {strides = array<i32>} : memref<128x64xf32, #tpu.memory_space<vmem>>, vector<1x16xf32>,
        %parallel_loop3A_221 = vector.shape_cast %parallel_loop3A_220 : vector<1x16xf32> to vector<16xf32>
        %parallel_loop3A_222 = arith.index_cast %parallel_loop3A_198 : i32 to index
        %parallel_loop3A_223 = arith.constant 32 : index
        %parallel_loop3A_224 = tpu.vector_load %arg12[%parallel_loop3A_222, %parallel_loop3A_223] {strides = array<i32>} : memref<128x128xf32, #tpu.memory_space<vmem>>, vector<1x16xf32>,
        %parallel_loop3A_225 = vector.shape_cast %parallel_loop3A_224 : vector<1x16xf32> to vector<16xf32>
        %parallel_loop3A_226 = arith.mulf %parallel_loop3A_221, %parallel_loop3A_225 : vector<16xf32>
        %parallel_loop3A_227 = arith.addf %parallel_loop3A_217, %parallel_loop3A_226 : vector<16xf32>
        %parallel_loop3A_228 = arith.index_cast %parallel_loop3A_198 : i32 to index
        %parallel_loop3A_229 = arith.constant 48 : index
        %parallel_loop3A_230 = tpu.vector_load %arg11[%parallel_loop3A_228, %parallel_loop3A_229] {strides = array<i32>} : memref<128x64xf32, #tpu.memory_space<vmem>>, vector<1x16xf32>,
        %parallel_loop3A_231 = vector.shape_cast %parallel_loop3A_230 : vector<1x16xf32> to vector<16xf32>
        %parallel_loop3A_232 = arith.index_cast %parallel_loop3A_198 : i32 to index
        %parallel_loop3A_233 = arith.constant 48 : index
        %parallel_loop3A_234 = tpu.vector_load %arg12[%parallel_loop3A_232, %parallel_loop3A_233] {strides = array<i32>} : memref<128x128xf32, #tpu.memory_space<vmem>>, vector<1x16xf32>,
        %parallel_loop3A_235 = vector.shape_cast %parallel_loop3A_234 : vector<1x16xf32> to vector<16xf32>
        %parallel_loop3A_236 = arith.mulf %parallel_loop3A_231, %parallel_loop3A_235 : vector<16xf32>
        %parallel_loop3A_237 = arith.addf %parallel_loop3A_227, %parallel_loop3A_236 : vector<16xf32>
        %parallel_loop3A_238 = tpu.iota {dimensions = array<i32: 0>} : vector<16xi32>
        %parallel_loop3A_239 = arith.constant 8 : i32
        %parallel_loop3A_240 = vector.broadcast %parallel_loop3A_239 : i32 to vector<16xi32>
        %parallel_loop3A_241 = arith.xori %parallel_loop3A_238, %parallel_loop3A_240 : vector<16xi32>
        %parallel_loop3A_242 = vector.shape_cast %parallel_loop3A_241 : vector<16xi32> to vector<16x1xi32>
        %parallel_loop3A_243 = vector.shape_cast %parallel_loop3A_242 : vector<16x1xi32> to vector<16xi32>
        %parallel_loop3A_244 = tpu.dynamic_gather %parallel_loop3A_237[%parallel_loop3A_243] in [0] : vector<16xf32>, vector<16xi32> -> vector<16xf32>
        %parallel_loop3A_245 = arith.addf %parallel_loop3A_237, %parallel_loop3A_244 : vector<16xf32>
        %parallel_loop3A_246 = tpu.iota {dimensions = array<i32: 0>} : vector<16xi32>
        %parallel_loop3A_247 = arith.constant 4 : i32
        %parallel_loop3A_248 = vector.broadcast %parallel_loop3A_247 : i32 to vector<16xi32>
        %parallel_loop3A_249 = arith.xori %parallel_loop3A_246, %parallel_loop3A_248 : vector<16xi32>
        %parallel_loop3A_250 = vector.shape_cast %parallel_loop3A_249 : vector<16xi32> to vector<16x1xi32>
        %parallel_loop3A_251 = vector.shape_cast %parallel_loop3A_250 : vector<16x1xi32> to vector<16xi32>
        %parallel_loop3A_252 = tpu.dynamic_gather %parallel_loop3A_245[%parallel_loop3A_251] in [0] : vector<16xf32>, vector<16xi32> -> vector<16xf32>
        %parallel_loop3A_253 = arith.addf %parallel_loop3A_245, %parallel_loop3A_252 : vector<16xf32>
        %parallel_loop3A_254 = math.exp %parallel_loop3A_253 : vector<16xf32>
        %parallel_loop3A_255 = arith.index_cast %parallel_loop3A_198 : i32 to index
        %parallel_loop3A_256 = arith.constant 0 : index
        %parallel_loop3A_257 = tpu.vector_load %arg14[%parallel_loop3A_255, %parallel_loop3A_256] {strides = array<i32>} : memref<128x16xf32, #tpu.memory_space<vmem>>, vector<1x16xf32>,
        %parallel_loop3A_258 = vector.shape_cast %parallel_loop3A_257 : vector<1x16xf32> to vector<16xf32>
        %parallel_loop3A_259 = vector.shape_cast %parallel_loop3A_254 : vector<16xf32> to vector<1x16xf32>
        tpu.vector_store %arg14[%parallel_loop3A_255, %parallel_loop3A_256], %parallel_loop3A_259 {strides = array<i32>} : memref<128x16xf32, #tpu.memory_space<vmem>>, vector<1x16xf32>,
        %parallel_loop3A_260 = arith.index_cast %parallel_loop3A_198 : i32 to index
        %parallel_loop3A_261 = arith.constant 64 : index
        %parallel_loop3A_262 = tpu.vector_load %arg12[%parallel_loop3A_260, %parallel_loop3A_261] {strides = array<i32>} : memref<128x128xf32, #tpu.memory_space<vmem>>, vector<1x16xf32>,
        %parallel_loop3A_263 = vector.shape_cast %parallel_loop3A_262 : vector<1x16xf32> to vector<16xf32>
        %parallel_loop3A_264 = arith.mulf %parallel_loop3A_263, %parallel_loop3A_254 : vector<16xf32>
        %parallel_loop3A_265 = arith.index_cast %parallel_loop3A_198 : i32 to index
        %parallel_loop3A_266 = arith.constant 0 : index
        %parallel_loop3A_267 = tpu.vector_load %arg13[%parallel_loop3A_265, %parallel_loop3A_266] {strides = array<i32>} : memref<128x64xf32, #tpu.memory_space<vmem>>, vector<1x16xf32>,
        %parallel_loop3A_268 = vector.shape_cast %parallel_loop3A_267 : vector<1x16xf32> to vector<16xf32>
        %parallel_loop3A_269 = vector.shape_cast %parallel_loop3A_264 : vector<16xf32> to vector<1x16xf32>
        tpu.vector_store %arg13[%parallel_loop3A_265, %parallel_loop3A_266], %parallel_loop3A_269 {strides = array<i32>} : memref<128x64xf32, #tpu.memory_space<vmem>>, vector<1x16xf32>,
        %parallel_loop3A_270 = arith.index_cast %parallel_loop3A_198 : i32 to index
        %parallel_loop3A_271 = arith.constant 80 : index
        %parallel_loop3A_272 = tpu.vector_load %arg12[%parallel_loop3A_270, %parallel_loop3A_271] {strides = array<i32>} : memref<128x128xf32, #tpu.memory_space<vmem>>, vector<1x16xf32>,
        %parallel_loop3A_273 = vector.shape_cast %parallel_loop3A_272 : vector<1x16xf32> to vector<16xf32>
        %parallel_loop3A_274 = arith.mulf %parallel_loop3A_273, %parallel_loop3A_254 : vector<16xf32>
        %parallel_loop3A_275 = arith.index_cast %parallel_loop3A_198 : i32 to index
        %parallel_loop3A_276 = arith.constant 16 : index
        %parallel_loop3A_277 = tpu.vector_load %arg13[%parallel_loop3A_275, %parallel_loop3A_276] {strides = array<i32>} : memref<128x64xf32, #tpu.memory_space<vmem>>, vector<1x16xf32>,
        %parallel_loop3A_278 = vector.shape_cast %parallel_loop3A_277 : vector<1x16xf32> to vector<16xf32>
        %parallel_loop3A_279 = vector.shape_cast %parallel_loop3A_274 : vector<16xf32> to vector<1x16xf32>
        tpu.vector_store %arg13[%parallel_loop3A_275, %parallel_loop3A_276], %parallel_loop3A_279 {strides = array<i32>} : memref<128x64xf32, #tpu.memory_space<vmem>>, vector<1x16xf32>,
        %parallel_loop3A_280 = arith.index_cast %parallel_loop3A_198 : i32 to index
        %parallel_loop3A_281 = arith.constant 96 : index
        %parallel_loop3A_282 = tpu.vector_load %arg12[%parallel_loop3A_280, %parallel_loop3A_281] {strides = array<i32>} : memref<128x128xf32, #tpu.memory_space<vmem>>, vector<1x16xf32>,
        %parallel_loop3A_283 = vector.shape_cast %parallel_loop3A_282 : vector<1x16xf32> to vector<16xf32>
        %parallel_loop3A_284 = arith.mulf %parallel_loop3A_283, %parallel_loop3A_254 : vector<16xf32>
        %parallel_loop3A_285 = arith.index_cast %parallel_loop3A_198 : i32 to index
        %parallel_loop3A_286 = arith.constant 32 : index
        %parallel_loop3A_287 = tpu.vector_load %arg13[%parallel_loop3A_285, %parallel_loop3A_286] {strides = array<i32>} : memref<128x64xf32, #tpu.memory_space<vmem>>, vector<1x16xf32>,
        %parallel_loop3A_288 = vector.shape_cast %parallel_loop3A_287 : vector<1x16xf32> to vector<16xf32>
        %parallel_loop3A_289 = vector.shape_cast %parallel_loop3A_284 : vector<16xf32> to vector<1x16xf32>
        tpu.vector_store %arg13[%parallel_loop3A_285, %parallel_loop3A_286], %parallel_loop3A_289 {strides = array<i32>} : memref<128x64xf32, #tpu.memory_space<vmem>>, vector<1x16xf32>,
        %parallel_loop3A_290 = arith.index_cast %parallel_loop3A_198 : i32 to index
        %parallel_loop3A_291 = arith.constant 112 : index
        %parallel_loop3A_292 = tpu.vector_load %arg12[%parallel_loop3A_290, %parallel_loop3A_291] {strides = array<i32>} : memref<128x128xf32, #tpu.memory_space<vmem>>, vector<1x16xf32>,
        %parallel_loop3A_293 = vector.shape_cast %parallel_loop3A_292 : vector<1x16xf32> to vector<16xf32>
        %parallel_loop3A_294 = arith.mulf %parallel_loop3A_293, %parallel_loop3A_254 : vector<16xf32>
        %parallel_loop3A_295 = arith.index_cast %parallel_loop3A_198 : i32 to index
        %parallel_loop3A_296 = arith.constant 48 : index
        %parallel_loop3A_297 = tpu.vector_load %arg13[%parallel_loop3A_295, %parallel_loop3A_296] {strides = array<i32>} : memref<128x64xf32, #tpu.memory_space<vmem>>, vector<1x16xf32>,
        %parallel_loop3A_298 = vector.shape_cast %parallel_loop3A_297 : vector<1x16xf32> to vector<16xf32>
        %parallel_loop3A_299 = vector.shape_cast %parallel_loop3A_294 : vector<16xf32> to vector<1x16xf32>
        tpu.vector_store %arg13[%parallel_loop3A_295, %parallel_loop3A_296], %parallel_loop3A_299 {strides = array<i32>} : memref<128x64xf32, #tpu.memory_space<vmem>>, vector<1x16xf32>,
      } {sc.loop_unroll_factor = 4 : i64, sc.parallel_access}
      "tpu.region"() ({
        %run_scoped3A = tpu.sem_alloc : memref<!tpu.dma_semaphore, #tpu.memory_space<semaphore_mem>>
        %dma_start3A_198 = arith.constant 0 : i32
        %dma_start3A_199 = arith.constant 0 : i32
        %dma_start3A_200 = tpu.memref_slice %arg15[%dma_start3A_198, %dma_start3A_199] : memref<10240x64xf32, #tpu.memory_space<vmem_shared>> -> memref<10240x64xf32, #tpu.memory_space<vmem_shared>>
        tpu.enqueue_indirect_dma source(%arg13 : memref<128x64xf32, #tpu.memory_space<vmem>>) target(%dma_start3A_200 : memref<10240x64xf32, #tpu.memory_space<vmem_shared>>) offsets(%arg9 : memref<128xi32, #tpu.memory_space<vmem>>) semaphore(%run_scoped3A : memref<!tpu.dma_semaphore, #tpu.memory_space<semaphore_mem>>) {add = true}
        %dma_wait3A_201 = arith.constant 0 : i32
        %dma_wait3A_202 = arith.constant 0 : i32
        %dma_wait3A_203 = tpu.memref_slice %arg15[%dma_wait3A_201, %dma_wait3A_202] : memref<10240x64xf32, #tpu.memory_space<vmem_shared>> -> memref<10240x64xf32, #tpu.memory_space<vmem_shared>>
        tpu.wait_indirect_dma semaphore(%run_scoped3A : memref<!tpu.dma_semaphore, #tpu.memory_space<semaphore_mem>>) src(%arg13 : memref<128x64xf32, #tpu.memory_space<vmem>>) dst(%dma_wait3A_203 : memref<10240x64xf32, #tpu.memory_space<vmem_shared>>)
        tpu.yield
      }) : () -> ()
      "tpu.region"() ({
        %run_scoped3A = tpu.sem_alloc : memref<!tpu.dma_semaphore, #tpu.memory_space<semaphore_mem>>
        %dma_start3A_198 = arith.constant 0 : i32
        %dma_start3A_199 = arith.constant 0 : i32
        %dma_start3A_200 = tpu.memref_slice %arg16[%dma_start3A_198, %dma_start3A_199] : memref<10240x16xf32, #tpu.memory_space<vmem_shared>> -> memref<10240x16xf32, #tpu.memory_space<vmem_shared>>
        tpu.enqueue_indirect_dma source(%arg14 : memref<128x16xf32, #tpu.memory_space<vmem>>) target(%dma_start3A_200 : memref<10240x16xf32, #tpu.memory_space<vmem_shared>>) offsets(%arg9 : memref<128xi32, #tpu.memory_space<vmem>>) semaphore(%run_scoped3A : memref<!tpu.dma_semaphore, #tpu.memory_space<semaphore_mem>>) {add = true}
        %dma_wait3A_201 = arith.constant 0 : i32
        %dma_wait3A_202 = arith.constant 0 : i32
        %dma_wait3A_203 = tpu.memref_slice %arg16[%dma_wait3A_201, %dma_wait3A_202] : memref<10240x16xf32, #tpu.memory_space<vmem_shared>> -> memref<10240x16xf32, #tpu.memory_space<vmem_shared>>
        tpu.wait_indirect_dma semaphore(%run_scoped3A : memref<!tpu.dma_semaphore, #tpu.memory_space<semaphore_mem>>) src(%arg14 : memref<128x16xf32, #tpu.memory_space<vmem>>) dst(%dma_wait3A_203 : memref<10240x16xf32, #tpu.memory_space<vmem_shared>>)
        tpu.yield
      }) : () -> ()
      %scan3A_197 = arith.constant 0 : i32
      scf.yield %scan3A_197 : i32
    }
    %scan3A_32 = arith.constant 157 : i32
    %barrier3A_33 = arith.constant 0 : index
    tpu.barrier barrier_id(%barrier3A_33)
    %mul3A_34 = arith.constant 640 : i32
    %mul3A_35 = arith.muli %arg1, %mul3A_34 : i32
    "tpu.region"() ({
      %run_scoped3A = tpu.sem_alloc : memref<!tpu.dma_semaphore, #tpu.memory_space<semaphore_mem>>
      %dma_start3A = arith.constant 0 : i32
      %dma_start3A_36 = tpu.memref_slice %arg6[%arg0, %mul3A_35, %dma_start3A] : memref<2x10240x64xf32, #tpu.memory_space<hbm>> -> memref<1x640x64xf32, #tpu.memory_space<hbm>>
      %dma_start3A_37 = tpu.memref_squeeze %dma_start3A_36 : memref<1x640x64xf32, #tpu.memory_space<hbm>> -> memref<640x64xf32, #tpu.memory_space<hbm>>
      %dma_start3A_38 = arith.constant 0 : i32
      %dma_start3A_39 = tpu.memref_slice %arg15[%mul3A_35, %dma_start3A_38] : memref<10240x64xf32, #tpu.memory_space<vmem_shared>> -> memref<640x64xf32, #tpu.memory_space<vmem_shared>>
      tpu.enqueue_dma source(%dma_start3A_39 : memref<640x64xf32, #tpu.memory_space<vmem_shared>>) target(%dma_start3A_37 : memref<640x64xf32, #tpu.memory_space<hbm>>) target_semaphore(%run_scoped3A : memref<!tpu.dma_semaphore, #tpu.memory_space<semaphore_mem>>)
      %dma_wait3A = arith.constant 0 : i32
      %dma_wait3A_40 = tpu.memref_slice %arg6[%arg0, %mul3A_35, %dma_wait3A] : memref<2x10240x64xf32, #tpu.memory_space<hbm>> -> memref<1x640x64xf32, #tpu.memory_space<hbm>>
      %dma_wait3A_41 = tpu.memref_squeeze %dma_wait3A_40 : memref<1x640x64xf32, #tpu.memory_space<hbm>> -> memref<640x64xf32, #tpu.memory_space<hbm>>
      %dma_wait3A_42 = arith.constant 0 : i32
      %dma_wait3A_43 = tpu.memref_slice %arg15[%mul3A_35, %dma_wait3A_42] : memref<10240x64xf32, #tpu.memory_space<vmem_shared>> -> memref<640x64xf32, #tpu.memory_space<vmem_shared>>
      tpu.wait_dma2 semaphore(%run_scoped3A : memref<!tpu.dma_semaphore, #tpu.memory_space<semaphore_mem>>) src(%dma_wait3A_43 : memref<640x64xf32, #tpu.memory_space<vmem_shared>>) dst(%dma_wait3A_41 : memref<640x64xf32, #tpu.memory_space<hbm>>)
      tpu.yield
    }) : () -> ()
    "tpu.region"() ({
      %run_scoped3A = tpu.sem_alloc : memref<!tpu.dma_semaphore, #tpu.memory_space<semaphore_mem>>
      %dma_start3A = arith.constant 0 : i32
      %dma_start3A_36 = tpu.memref_slice %arg7[%arg0, %mul3A_35, %dma_start3A] : memref<2x10240x16xf32, #tpu.memory_space<hbm>> -> memref<1x640x16xf32, #tpu.memory_space<hbm>>
      %dma_start3A_37 = tpu.memref_squeeze %dma_start3A_36 : memref<1x640x16xf32, #tpu.memory_space<hbm>> -> memref<640x16xf32, #tpu.memory_space<hbm>>
      %dma_start3A_38 = arith.constant 0 : i32
      %dma_start3A_39 = tpu.memref_slice %arg16[%mul3A_35, %dma_start3A_38] : memref<10240x16xf32, #tpu.memory_space<vmem_shared>> -> memref<640x16xf32, #tpu.memory_space<vmem_shared>>
      tpu.enqueue_dma source(%dma_start3A_39 : memref<640x16xf32, #tpu.memory_space<vmem_shared>>) target(%dma_start3A_37 : memref<640x16xf32, #tpu.memory_space<hbm>>) target_semaphore(%run_scoped3A : memref<!tpu.dma_semaphore, #tpu.memory_space<semaphore_mem>>)
      %dma_wait3A = arith.constant 0 : i32
      %dma_wait3A_40 = tpu.memref_slice %arg7[%arg0, %mul3A_35, %dma_wait3A] : memref<2x10240x16xf32, #tpu.memory_space<hbm>> -> memref<1x640x16xf32, #tpu.memory_space<hbm>>
      %dma_wait3A_41 = tpu.memref_squeeze %dma_wait3A_40 : memref<1x640x16xf32, #tpu.memory_space<hbm>> -> memref<640x16xf32, #tpu.memory_space<hbm>>
      %dma_wait3A_42 = arith.constant 0 : i32
      %dma_wait3A_43 = tpu.memref_slice %arg16[%mul3A_35, %dma_wait3A_42] : memref<10240x16xf32, #tpu.memory_space<vmem_shared>> -> memref<640x16xf32, #tpu.memory_space<vmem_shared>>
      tpu.wait_dma2 semaphore(%run_scoped3A : memref<!tpu.dma_semaphore, #tpu.memory_space<semaphore_mem>>) src(%dma_wait3A_43 : memref<640x16xf32, #tpu.memory_space<vmem_shared>>) dst(%dma_wait3A_41 : memref<640x16xf32, #tpu.memory_space<hbm>>)
      tpu.yield
    }) : () -> ()
    return
  }
}

module attributes {stable_mosaic.version = 14 : i64} {
  func.func @_qkv_body(%arg0: i32, %arg1: memref<512x128xf32, #tpu.memory_space<vmem>>, %arg2: memref<128x128xf32, #tpu.memory_space<vmem>>, %arg3: memref<128x128xf32, #tpu.memory_space<vmem>>, %arg4: memref<128x128xf32, #tpu.memory_space<vmem>>, %arg5: memref<1x128xf32, #tpu.memory_space<vmem>>, %arg6: memref<1x128xf32, #tpu.memory_space<vmem>>, %arg7: memref<1x128xf32, #tpu.memory_space<vmem>>, %arg8: memref<128x128xf32, #tpu.memory_space<vmem>>, %arg9: memref<128x128xf32, #tpu.memory_space<vmem>>, %arg10: memref<128x128xf32, #tpu.memory_space<vmem>>, %arg11: memref<2x512x64xf32, #tpu.memory_space<vmem>>, %arg12: memref<2x512x128xf32, #tpu.memory_space<vmem>>) attributes {dimension_semantics = [#tpu.dimension_semantics<arbitrary>], iteration_bounds = array<i64: 20>, scalar_prefetch = 0 : i64, scratch_operands = 0 : i64, tpu.core_type = #tpu.core_type<tc>, window_params = [{transform_indices = @transform_0, window_bounds = array<i64: 512, 128>}, {pipeline_mode = #tpu.pipeline_mode<synchronous>, transform_indices = @transform_1, window_bounds = array<i64: 128, 128>}, {pipeline_mode = #tpu.pipeline_mode<synchronous>, transform_indices = @transform_2, window_bounds = array<i64: 128, 128>}, {pipeline_mode = #tpu.pipeline_mode<synchronous>, transform_indices = @transform_3, window_bounds = array<i64: 128, 128>}, {pipeline_mode = #tpu.pipeline_mode<synchronous>, transform_indices = @transform_4, window_bounds = array<i64: 1, 128>}, {pipeline_mode = #tpu.pipeline_mode<synchronous>, transform_indices = @transform_5, window_bounds = array<i64: 1, 128>}, {pipeline_mode = #tpu.pipeline_mode<synchronous>, transform_indices = @transform_6, window_bounds = array<i64: 1, 128>}, {pipeline_mode = #tpu.pipeline_mode<synchronous>, transform_indices = @transform_7, window_bounds = array<i64: 128, 128>}, {pipeline_mode = #tpu.pipeline_mode<synchronous>, transform_indices = @transform_8, window_bounds = array<i64: 128, 128>}, {pipeline_mode = #tpu.pipeline_mode<synchronous>, transform_indices = @transform_9, window_bounds = array<i64: 128, 128>}, {transform_indices = @transform_10, window_bounds = array<i64: 2, 512, 64>}, {transform_indices = @transform_11, window_bounds = array<i64: 2, 512, 128>}]} {
    %get3A = arith.constant 0 : index
    %get3A_0 = arith.constant 0 : index
    %get3A_1 = vector.load %arg1[%get3A, %get3A_0] : memref<512x128xf32, #tpu.memory_space<vmem>>, vector<512x128xf32>
    %get3A_2 = arith.constant 0 : index
    %get3A_3 = arith.constant 0 : index
    %get3A_4 = vector.load %arg2[%get3A_2, %get3A_3] : memref<128x128xf32, #tpu.memory_space<vmem>>, vector<128x128xf32>
    %dot_general3A = arith.constant dense<0.000000e+00> : vector<512x128xf32>
    %dot_general3A_5 = tpu.matmul %get3A_1, %get3A_4, %dot_general3A {dimension_numbers = #tpu.dot_dimension_numbers<[1], [0], [0], [1], [0, 0, 1, 1], [], []>, transpose_lhs_hint = false} : vector<512x128xf32>, vector<128x128xf32>, vector<512x128xf32> -> vector<512x128xf32>
    %get3A_6 = arith.constant 0 : index
    %get3A_7 = arith.constant 0 : index
    %get3A_8 = vector.load %arg5[%get3A_6, %get3A_7] : memref<1x128xf32, #tpu.memory_space<vmem>>, vector<1x128xf32>
    %add3A = vector.broadcast %get3A_8 : vector<1x128xf32> to vector<512x128xf32>
    %add3A_9 = arith.addf %dot_general3A_5, %add3A : vector<512x128xf32>
    %get3A_10 = arith.constant 0 : index
    %get3A_11 = arith.constant 0 : index
    %get3A_12 = vector.load %arg3[%get3A_10, %get3A_11] : memref<128x128xf32, #tpu.memory_space<vmem>>, vector<128x128xf32>
    %dot_general3A_13 = arith.constant dense<0.000000e+00> : vector<512x128xf32>
    %dot_general3A_14 = tpu.matmul %get3A_1, %get3A_12, %dot_general3A_13 {dimension_numbers = #tpu.dot_dimension_numbers<[1], [0], [0], [1], [0, 0, 1, 1], [], []>, transpose_lhs_hint = false} : vector<512x128xf32>, vector<128x128xf32>, vector<512x128xf32> -> vector<512x128xf32>
    %get3A_15 = arith.constant 0 : index
    %get3A_16 = arith.constant 0 : index
    %get3A_17 = vector.load %arg6[%get3A_15, %get3A_16] : memref<1x128xf32, #tpu.memory_space<vmem>>, vector<1x128xf32>
    %add3A_18 = vector.broadcast %get3A_17 : vector<1x128xf32> to vector<512x128xf32>
    %add3A_19 = arith.addf %dot_general3A_14, %add3A_18 : vector<512x128xf32>
    %get3A_20 = arith.constant 0 : index
    %get3A_21 = arith.constant 0 : index
    %get3A_22 = vector.load %arg4[%get3A_20, %get3A_21] : memref<128x128xf32, #tpu.memory_space<vmem>>, vector<128x128xf32>
    %dot_general3A_23 = arith.constant dense<0.000000e+00> : vector<512x128xf32>
    %dot_general3A_24 = tpu.matmul %get3A_1, %get3A_22, %dot_general3A_23 {dimension_numbers = #tpu.dot_dimension_numbers<[1], [0], [0], [1], [0, 0, 1, 1], [], []>, transpose_lhs_hint = false} : vector<512x128xf32>, vector<128x128xf32>, vector<512x128xf32> -> vector<512x128xf32>
    %get3A_25 = arith.constant 0 : index
    %get3A_26 = arith.constant 0 : index
    %get3A_27 = vector.load %arg7[%get3A_25, %get3A_26] : memref<1x128xf32, #tpu.memory_space<vmem>>, vector<1x128xf32>
    %add3A_28 = vector.broadcast %get3A_27 : vector<1x128xf32> to vector<512x128xf32>
    %add3A_29 = arith.addf %dot_general3A_24, %add3A_28 : vector<512x128xf32>
    %get3A_30 = arith.constant 0 : index
    %get3A_31 = arith.constant 0 : index
    %get3A_32 = vector.load %arg8[%get3A_30, %get3A_31] : memref<128x128xf32, #tpu.memory_space<vmem>>, vector<128x128xf32>
    %dot_general3A_33 = arith.constant dense<0.000000e+00> : vector<512x128xf32>
    %dot_general3A_34 = tpu.matmul %add3A_9, %get3A_32, %dot_general3A_33 {dimension_numbers = #tpu.dot_dimension_numbers<[1], [0], [0], [1], [0, 0, 1, 1], [], []>, transpose_lhs_hint = false} : vector<512x128xf32>, vector<128x128xf32>, vector<512x128xf32> -> vector<512x128xf32>
    %get3A_35 = arith.constant 0 : index
    %get3A_36 = arith.constant 0 : index
    %get3A_37 = vector.load %arg9[%get3A_35, %get3A_36] : memref<128x128xf32, #tpu.memory_space<vmem>>, vector<128x128xf32>
    %dot_general3A_38 = arith.constant dense<0.000000e+00> : vector<512x128xf32>
    %dot_general3A_39 = tpu.matmul %add3A_19, %get3A_37, %dot_general3A_38 {dimension_numbers = #tpu.dot_dimension_numbers<[1], [0], [0], [1], [0, 0, 1, 1], [], []>, transpose_lhs_hint = false} : vector<512x128xf32>, vector<128x128xf32>, vector<512x128xf32> -> vector<512x128xf32>
    %get3A_40 = arith.constant 0 : index
    %get3A_41 = arith.constant 0 : index
    %get3A_42 = vector.load %arg10[%get3A_40, %get3A_41] : memref<128x128xf32, #tpu.memory_space<vmem>>, vector<128x128xf32>
    %dot_general3A_43 = arith.constant dense<0.000000e+00> : vector<512x128xf32>
    %dot_general3A_44 = tpu.matmul %add3A_29, %get3A_42, %dot_general3A_43 {dimension_numbers = #tpu.dot_dimension_numbers<[1], [0], [0], [1], [0, 0, 1, 1], [], []>, transpose_lhs_hint = false} : vector<512x128xf32>, vector<128x128xf32>, vector<512x128xf32> -> vector<512x128xf32>
    %slice3A = vector.extract_strided_slice %dot_general3A_34 {offsets = [0, 0], sizes = [512, 64], strides = [1, 1]} : vector<512x128xf32> to vector<512x64xf32>
    %swap3A = arith.constant 0 : index
    %swap3A_45 = arith.constant 0 : index
    %swap3A_46 = arith.constant 0 : index
    %swap3A_47 = vector.load %arg11[%swap3A, %swap3A_45, %swap3A_46] : memref<2x512x64xf32, #tpu.memory_space<vmem>>, vector<1x512x64xf32>
    %swap3A_48 = vector.shape_cast %swap3A_47 : vector<1x512x64xf32> to vector<512x64xf32>
    %swap3A_49 = vector.shape_cast %slice3A : vector<512x64xf32> to vector<1x512x64xf32>
    tpu.vector_store %arg11[%swap3A, %swap3A_45, %swap3A_46], %swap3A_49 {strides = array<i32>} : memref<2x512x64xf32, #tpu.memory_space<vmem>>, vector<1x512x64xf32>,
    %slice3A_50 = vector.extract_strided_slice %dot_general3A_39 {offsets = [0, 0], sizes = [512, 64], strides = [1, 1]} : vector<512x128xf32> to vector<512x64xf32>
    %slice3A_51 = vector.extract_strided_slice %dot_general3A_44 {offsets = [0, 0], sizes = [512, 64], strides = [1, 1]} : vector<512x128xf32> to vector<512x64xf32>
    %concatenate3A = tpu.concatenate %slice3A_50, %slice3A_51 in 1 : vector<512x64xf32>, vector<512x64xf32> -> vector<512x128xf32>
    %swap3A_52 = arith.constant 0 : index
    %swap3A_53 = arith.constant 0 : index
    %swap3A_54 = arith.constant 0 : index
    %swap3A_55 = vector.load %arg12[%swap3A_52, %swap3A_53, %swap3A_54] : memref<2x512x128xf32, #tpu.memory_space<vmem>>, vector<1x512x128xf32>
    %swap3A_56 = vector.shape_cast %swap3A_55 : vector<1x512x128xf32> to vector<512x128xf32>
    %swap3A_57 = vector.shape_cast %concatenate3A : vector<512x128xf32> to vector<1x512x128xf32>
    tpu.vector_store %arg12[%swap3A_52, %swap3A_53, %swap3A_54], %swap3A_57 {strides = array<i32>} : memref<2x512x128xf32, #tpu.memory_space<vmem>>, vector<1x512x128xf32>,
    %slice3A_58 = vector.extract_strided_slice %dot_general3A_34 {offsets = [0, 64], sizes = [512, 64], strides = [1, 1]} : vector<512x128xf32> to vector<512x64xf32>
    %swap3A_59 = arith.constant 1 : index
    %swap3A_60 = arith.constant 0 : index
    %swap3A_61 = arith.constant 0 : index
    %swap3A_62 = vector.load %arg11[%swap3A_59, %swap3A_60, %swap3A_61] : memref<2x512x64xf32, #tpu.memory_space<vmem>>, vector<1x512x64xf32>
    %swap3A_63 = vector.shape_cast %swap3A_62 : vector<1x512x64xf32> to vector<512x64xf32>
    %swap3A_64 = vector.shape_cast %slice3A_58 : vector<512x64xf32> to vector<1x512x64xf32>
    tpu.vector_store %arg11[%swap3A_59, %swap3A_60, %swap3A_61], %swap3A_64 {strides = array<i32>} : memref<2x512x64xf32, #tpu.memory_space<vmem>>, vector<1x512x64xf32>,
    %slice3A_65 = vector.extract_strided_slice %dot_general3A_39 {offsets = [0, 64], sizes = [512, 64], strides = [1, 1]} : vector<512x128xf32> to vector<512x64xf32>
    %slice3A_66 = vector.extract_strided_slice %dot_general3A_44 {offsets = [0, 64], sizes = [512, 64], strides = [1, 1]} : vector<512x128xf32> to vector<512x64xf32>
    %concatenate3A_67 = tpu.concatenate %slice3A_65, %slice3A_66 in 1 : vector<512x64xf32>, vector<512x64xf32> -> vector<512x128xf32>
    %swap3A_68 = arith.constant 1 : index
    %swap3A_69 = arith.constant 0 : index
    %swap3A_70 = arith.constant 0 : index
    %swap3A_71 = vector.load %arg12[%swap3A_68, %swap3A_69, %swap3A_70] : memref<2x512x128xf32, #tpu.memory_space<vmem>>, vector<1x512x128xf32>
    %swap3A_72 = vector.shape_cast %swap3A_71 : vector<1x512x128xf32> to vector<512x128xf32>
    %swap3A_73 = vector.shape_cast %concatenate3A_67 : vector<512x128xf32> to vector<1x512x128xf32>
    tpu.vector_store %arg12[%swap3A_68, %swap3A_69, %swap3A_70], %swap3A_73 {strides = array<i32>} : memref<2x512x128xf32, #tpu.memory_space<vmem>>, vector<1x512x128xf32>,
    return
  }
  func.func @transform_0(%arg0: i32) -> (i32, i32) {
    %c0_i32 = arith.constant 0 : i32
    %c0_i32_0 = arith.constant 0 : i32
    return %arg0, %c0_i32 : i32, i32
  }
  func.func @transform_1(%arg0: i32) -> (i32, i32) {
    %c0_i32 = arith.constant 0 : i32
    %c0_i32_0 = arith.constant 0 : i32
    %c0_i32_1 = arith.constant 0 : i32
    return %c0_i32, %c0_i32_0 : i32, i32
  }
  func.func @transform_2(%arg0: i32) -> (i32, i32) {
    %c0_i32 = arith.constant 0 : i32
    %c0_i32_0 = arith.constant 0 : i32
    %c0_i32_1 = arith.constant 0 : i32
    return %c0_i32, %c0_i32_0 : i32, i32
  }
  func.func @transform_3(%arg0: i32) -> (i32, i32) {
    %c0_i32 = arith.constant 0 : i32
    %c0_i32_0 = arith.constant 0 : i32
    %c0_i32_1 = arith.constant 0 : i32
    return %c0_i32, %c0_i32_0 : i32, i32
  }
  func.func @transform_4(%arg0: i32) -> (i32, i32) {
    %c0_i32 = arith.constant 0 : i32
    %c0_i32_0 = arith.constant 0 : i32
    %c0_i32_1 = arith.constant 0 : i32
    return %c0_i32, %c0_i32_0 : i32, i32
  }
  func.func @transform_5(%arg0: i32) -> (i32, i32) {
    %c0_i32 = arith.constant 0 : i32
    %c0_i32_0 = arith.constant 0 : i32
    %c0_i32_1 = arith.constant 0 : i32
    return %c0_i32, %c0_i32_0 : i32, i32
  }
  func.func @transform_6(%arg0: i32) -> (i32, i32) {
    %c0_i32 = arith.constant 0 : i32
    %c0_i32_0 = arith.constant 0 : i32
    %c0_i32_1 = arith.constant 0 : i32
    return %c0_i32, %c0_i32_0 : i32, i32
  }
  func.func @transform_7(%arg0: i32) -> (i32, i32) {
    %c0_i32 = arith.constant 0 : i32
    %c0_i32_0 = arith.constant 0 : i32
    %c0_i32_1 = arith.constant 0 : i32
    return %c0_i32, %c0_i32_0 : i32, i32
  }
  func.func @transform_8(%arg0: i32) -> (i32, i32) {
    %c0_i32 = arith.constant 0 : i32
    %c0_i32_0 = arith.constant 0 : i32
    %c0_i32_1 = arith.constant 0 : i32
    return %c0_i32, %c0_i32_0 : i32, i32
  }
  func.func @transform_9(%arg0: i32) -> (i32, i32) {
    %c0_i32 = arith.constant 0 : i32
    %c0_i32_0 = arith.constant 0 : i32
    %c0_i32_1 = arith.constant 0 : i32
    return %c0_i32, %c0_i32_0 : i32, i32
  }
  func.func @transform_10(%arg0: i32) -> (i32, i32, i32) {
    %c0_i32 = arith.constant 0 : i32
    %c0_i32_0 = arith.constant 0 : i32
    %c0_i32_1 = arith.constant 0 : i32
    return %c0_i32, %arg0, %c0_i32_0 : i32, i32, i32
  }
  func.func @transform_11(%arg0: i32) -> (i32, i32, i32) {
    %c0_i32 = arith.constant 0 : i32
    %c0_i32_0 = arith.constant 0 : i32
    %c0_i32_1 = arith.constant 0 : i32
    return %c0_i32, %arg0, %c0_i32_0 : i32, i32, i32
  }
}

module attributes {stable_mosaic.version = 14 : i64} {
  func.func @_out_body(%arg0: i32, %arg1: memref<2x1000x64xf32, #tpu.memory_space<vmem>>, %arg2: memref<2x1000x16xf32, #tpu.memory_space<vmem>>, %arg3: memref<1000x128xf32, #tpu.memory_space<vmem>>, %arg4: memref<16x128xf32, #tpu.memory_space<vmem>>, %arg5: memref<16x128xf32, #tpu.memory_space<vmem>>, %arg6: memref<128x128xf32, #tpu.memory_space<vmem>>, %arg7: memref<128x128xf32, #tpu.memory_space<vmem>>, %arg8: memref<1x128xf32, #tpu.memory_space<vmem>>, %arg9: memref<1000x128xf32, #tpu.memory_space<vmem>>) attributes {dimension_semantics = [#tpu.dimension_semantics<arbitrary>], iteration_bounds = array<i64: 10>, scalar_prefetch = 0 : i64, scratch_operands = 0 : i64, tpu.core_type = #tpu.core_type<tc>, window_params = [{transform_indices = @transform_0, window_bounds = array<i64: 2, 1000, 64>}, {transform_indices = @transform_1, window_bounds = array<i64: 2, 1000, 16>}, {transform_indices = @transform_2, window_bounds = array<i64: 1000, 128>}, {pipeline_mode = #tpu.pipeline_mode<synchronous>, transform_indices = @transform_3, window_bounds = array<i64: 16, 128>}, {pipeline_mode = #tpu.pipeline_mode<synchronous>, transform_indices = @transform_4, window_bounds = array<i64: 16, 128>}, {pipeline_mode = #tpu.pipeline_mode<synchronous>, transform_indices = @transform_5, window_bounds = array<i64: 128, 128>}, {pipeline_mode = #tpu.pipeline_mode<synchronous>, transform_indices = @transform_6, window_bounds = array<i64: 128, 128>}, {pipeline_mode = #tpu.pipeline_mode<synchronous>, transform_indices = @transform_7, window_bounds = array<i64: 1, 128>}, {transform_indices = @transform_8, window_bounds = array<i64: 1000, 128>}]} {
    %get3A = arith.constant 0 : index
    %get3A_0 = arith.constant 0 : index
    %get3A_1 = arith.constant 0 : index
    %get3A_2 = vector.load %arg1[%get3A, %get3A_0, %get3A_1] : memref<2x1000x64xf32, #tpu.memory_space<vmem>>, vector<1x1000x64xf32>
    %get3A_3 = vector.shape_cast %get3A_2 : vector<1x1000x64xf32> to vector<1000x64xf32>
    %get3A_4 = arith.constant 1 : index
    %get3A_5 = arith.constant 0 : index
    %get3A_6 = arith.constant 0 : index
    %get3A_7 = vector.load %arg1[%get3A_4, %get3A_5, %get3A_6] : memref<2x1000x64xf32, #tpu.memory_space<vmem>>, vector<1x1000x64xf32>
    %get3A_8 = vector.shape_cast %get3A_7 : vector<1x1000x64xf32> to vector<1000x64xf32>
    %concatenate3A = tpu.concatenate %get3A_3, %get3A_8 in 1 : vector<1000x64xf32>, vector<1000x64xf32> -> vector<1000x128xf32>
    %get3A_9 = arith.constant 0 : index
    %get3A_10 = arith.constant 0 : index
    %get3A_11 = arith.constant 0 : index
    %get3A_12 = vector.load %arg2[%get3A_9, %get3A_10, %get3A_11] : memref<2x1000x16xf32, #tpu.memory_space<vmem>>, vector<1x1000x16xf32>
    %get3A_13 = vector.shape_cast %get3A_12 : vector<1x1000x16xf32> to vector<1000x16xf32>
    %get3A_14 = arith.constant 0 : index
    %get3A_15 = arith.constant 0 : index
    %get3A_16 = vector.load %arg4[%get3A_14, %get3A_15] : memref<16x128xf32, #tpu.memory_space<vmem>>, vector<16x128xf32>
    %dot_general3A = arith.constant dense<0.000000e+00> : vector<1000x128xf32>
    %dot_general3A_17 = tpu.matmul %get3A_13, %get3A_16, %dot_general3A {dimension_numbers = #tpu.dot_dimension_numbers<[1], [0], [0], [1], [0, 0, 1, 1], [], []>, transpose_lhs_hint = false} : vector<1000x16xf32>, vector<16x128xf32>, vector<1000x128xf32> -> vector<1000x128xf32>
    %get3A_18 = arith.constant 1 : index
    %get3A_19 = arith.constant 0 : index
    %get3A_20 = arith.constant 0 : index
    %get3A_21 = vector.load %arg2[%get3A_18, %get3A_19, %get3A_20] : memref<2x1000x16xf32, #tpu.memory_space<vmem>>, vector<1x1000x16xf32>
    %get3A_22 = vector.shape_cast %get3A_21 : vector<1x1000x16xf32> to vector<1000x16xf32>
    %get3A_23 = arith.constant 0 : index
    %get3A_24 = arith.constant 0 : index
    %get3A_25 = vector.load %arg5[%get3A_23, %get3A_24] : memref<16x128xf32, #tpu.memory_space<vmem>>, vector<16x128xf32>
    %dot_general3A_26 = arith.constant dense<0.000000e+00> : vector<1000x128xf32>
    %dot_general3A_27 = tpu.matmul %get3A_22, %get3A_25, %dot_general3A_26 {dimension_numbers = #tpu.dot_dimension_numbers<[1], [0], [0], [1], [0, 0, 1, 1], [], []>, transpose_lhs_hint = false} : vector<1000x16xf32>, vector<16x128xf32>, vector<1000x128xf32> -> vector<1000x128xf32>
    %add3A = arith.addf %dot_general3A_17, %dot_general3A_27 : vector<1000x128xf32>
    %add3A_28 = arith.constant 1.000000e-16 : f32
    %add3A_29 = vector.broadcast %add3A_28 : f32 to vector<1000x128xf32>
    %add3A_30 = arith.addf %add3A, %add3A_29 : vector<1000x128xf32>
    %div3A = arith.divf %concatenate3A, %add3A_30 : vector<1000x128xf32>
    %get3A_31 = arith.constant 0 : index
    %get3A_32 = arith.constant 0 : index
    %get3A_33 = vector.load %arg6[%get3A_31, %get3A_32] : memref<128x128xf32, #tpu.memory_space<vmem>>, vector<128x128xf32>
    %dot_general3A_34 = arith.constant dense<0.000000e+00> : vector<1000x128xf32>
    %dot_general3A_35 = tpu.matmul %div3A, %get3A_33, %dot_general3A_34 {dimension_numbers = #tpu.dot_dimension_numbers<[1], [0], [0], [1], [0, 0, 1, 1], [], []>, transpose_lhs_hint = false} : vector<1000x128xf32>, vector<128x128xf32>, vector<1000x128xf32> -> vector<1000x128xf32>
    %get3A_36 = arith.constant 0 : index
    %get3A_37 = arith.constant 0 : index
    %get3A_38 = vector.load %arg3[%get3A_36, %get3A_37] : memref<1000x128xf32, #tpu.memory_space<vmem>>, vector<1000x128xf32>
    %get3A_39 = arith.constant 0 : index
    %get3A_40 = arith.constant 0 : index
    %get3A_41 = vector.load %arg7[%get3A_39, %get3A_40] : memref<128x128xf32, #tpu.memory_space<vmem>>, vector<128x128xf32>
    %dot_general3A_42 = arith.constant dense<0.000000e+00> : vector<1000x128xf32>
    %dot_general3A_43 = tpu.matmul %get3A_38, %get3A_41, %dot_general3A_42 {dimension_numbers = #tpu.dot_dimension_numbers<[1], [0], [0], [1], [0, 0, 1, 1], [], []>, transpose_lhs_hint = false} : vector<1000x128xf32>, vector<128x128xf32>, vector<1000x128xf32> -> vector<1000x128xf32>
    %add3A_44 = arith.addf %dot_general3A_35, %dot_general3A_43 : vector<1000x128xf32>
    %get3A_45 = arith.constant 0 : index
    %get3A_46 = arith.constant 0 : index
    %get3A_47 = vector.load %arg8[%get3A_45, %get3A_46] : memref<1x128xf32, #tpu.memory_space<vmem>>, vector<1x128xf32>
    %add3A_48 = vector.broadcast %get3A_47 : vector<1x128xf32> to vector<1000x128xf32>
    %add3A_49 = arith.addf %add3A_44, %add3A_48 : vector<1000x128xf32>
    %swap3A = arith.constant 0 : index
    %swap3A_50 = arith.constant 0 : index
    %swap3A_51 = vector.load %arg9[%swap3A, %swap3A_50] : memref<1000x128xf32, #tpu.memory_space<vmem>>, vector<1000x128xf32>
    tpu.vector_store %arg9[%swap3A, %swap3A_50], %add3A_49 {strides = array<i32>} : memref<1000x128xf32, #tpu.memory_space<vmem>>, vector<1000x128xf32>,
    return
  }
  func.func @transform_0(%arg0: i32) -> (i32, i32, i32) {
    %c0_i32 = arith.constant 0 : i32
    %c0_i32_0 = arith.constant 0 : i32
    %c0_i32_1 = arith.constant 0 : i32
    return %c0_i32, %arg0, %c0_i32_0 : i32, i32, i32
  }
  func.func @transform_1(%arg0: i32) -> (i32, i32, i32) {
    %c0_i32 = arith.constant 0 : i32
    %c0_i32_0 = arith.constant 0 : i32
    %c0_i32_1 = arith.constant 0 : i32
    return %c0_i32, %arg0, %c0_i32_0 : i32, i32, i32
  }
  func.func @transform_2(%arg0: i32) -> (i32, i32) {
    %c0_i32 = arith.constant 0 : i32
    %c0_i32_0 = arith.constant 0 : i32
    return %arg0, %c0_i32 : i32, i32
  }
  func.func @transform_3(%arg0: i32) -> (i32, i32) {
    %c0_i32 = arith.constant 0 : i32
    %c0_i32_0 = arith.constant 0 : i32
    %c0_i32_1 = arith.constant 0 : i32
    return %c0_i32, %c0_i32_0 : i32, i32
  }
  func.func @transform_4(%arg0: i32) -> (i32, i32) {
    %c0_i32 = arith.constant 0 : i32
    %c0_i32_0 = arith.constant 0 : i32
    %c0_i32_1 = arith.constant 0 : i32
    return %c0_i32, %c0_i32_0 : i32, i32
  }
  func.func @transform_5(%arg0: i32) -> (i32, i32) {
    %c0_i32 = arith.constant 0 : i32
    %c0_i32_0 = arith.constant 0 : i32
    %c0_i32_1 = arith.constant 0 : i32
    return %c0_i32, %c0_i32_0 : i32, i32
  }
  func.func @transform_6(%arg0: i32) -> (i32, i32) {
    %c0_i32 = arith.constant 0 : i32
    %c0_i32_0 = arith.constant 0 : i32
    %c0_i32_1 = arith.constant 0 : i32
    return %c0_i32, %c0_i32_0 : i32, i32
  }
  func.func @transform_7(%arg0: i32) -> (i32, i32) {
    %c0_i32 = arith.constant 0 : i32
    %c0_i32_0 = arith.constant 0 : i32
    %c0_i32_1 = arith.constant 0 : i32
    return %c0_i32, %c0_i32_0 : i32, i32
  }
  func.func @transform_8(%arg0: i32) -> (i32, i32) {
    %c0_i32 = arith.constant 0 : i32
    %c0_i32_0 = arith.constant 0 : i32
    return %arg0, %c0_i32 : i32, i32
  }
}

</mosaic_0001>

<sc_bundles>
// kernel: kernel.5.cloned.1.call-start
scs
__scs_entry_jumppad:
0x0: {  	(pc) =	sbr.rel $0x88, $3  }
0x1: {  	(tag) =	ssettag $0x0;
	lr =	simm.s32 $0x1  }
0x2: {  	[smem:$0x3F93] =	sst lr;
	_ =	strace $0xD0000000  }
0x3: {  	_ = 	snop  }
0x4: {  	_ = 	snop  }
0x5: {  	_ = 	snop  }
0x6: {  	_ = 	snop  }
0x7: {  	_ = 	snop  }
__scs_overlays_trampoline_lowered:
0x8: {  	[smem:$0x3FA2] =	sst s0  }
0x9: {  	[smem:$0x3FA3] =	sst s1  }
0xa: {  	[smem:$0x3FA4] =	sst s2  }
0xb: {  	[smem:$0x3FA5] =	sst s3  }
0xc: {  	[smem:$0x3FA6] =	sst s4  }
0xd: {  	[smem:$0x3FA7] =	sst s5  }
0xe: {  	[smem:$0x3FA8] =	sst s6  }
0xf: {  	[smem:$0x3FA9] =	sst s7  }
0x10: {  	[smem:$0x3FAA] =	sst s8  }
0x11: {  	[smem:$0x3FAB] =	sst s9;
	s0 =	simm.s32 @!p0 $0x0  }
0x12: {  	s1 =	sld [smem:$0x3F91];
	s0 =	simm.s32 @p0 $0x1  }
0x13: {  	[smem:$0x3FAC] =	sst s0;
	s0 =	simm.s32 @!p1 $0x0  }
0x14: {  	s2 =	sld [smem:$0x3F90];
	s0 =	simm.s32 @p1 $0x1  }
0x15: {  	[smem:$0x3FAD] =	sst s0;
	s0 =	simm.s32 @!p2 $0x0  }
0x16: {  	s3 =	sld [smem:$0x3FDB];
	s0 =	simm.s32 @p2 $0x1  }
0x17: {  	s4 =	simm.s32 $0x1BF5;
	[smem:$0x3FAF] =	sst s0  }
0x18: {  	s0 =	sld [smem:$0x3F92];
	_ =	swait.ge [sflag:s4], $0x0  }
0x19: {  	s7 =	sld [smem:$0x3F93]  }
0x1a: {  	s8 =	sadd.s32 $0xFFFFE003, lr  }
0x1b: {  	s9 =	sadd.s32 $0xFFFFFEF7, lr;
	s5 =	simm.s32 $0xFFFFFFFF;
	p2 =	slt.u32 s8, $0xFFFFF086  }
0x1c: {  	p1 =	slt.u32 s9, $0xF7A;
	s5 =	simm.s32 @!p2 $0x0  }
0x1d: {  	s5 =	simm.s32 @p1 $0x1;
	p0 =	seq.s32 s7, s2  }
0x1e: {  	s7 =	smul.u32 @!p0 $0xF7A, s2;
	p2 =	seq.s32 @!p0 s5, $0x0  }
0x1f: {  	s9 =	smul.u32 $0xF7A, s1;
	s8 =	simm.s32 @!p0 $0x1BF5;
	p2 =	por !p2, p0  }
0x20: {  	[sflag:s8] =	ssyncset.s32 @!p0 $0xFFFFF086;
	s6 =	sadd.s32 @!p0 s3, s7;
	s7 =	simm.s32 @!p0 $0x108  }
0x21: {  	s3 =	sadd.s32 s3, s9;
	s6 =	sadd.s32 @!p0 $0x88, s6;
	s7 =	simm.s32 @p2 $0x1082  }
0x22: {  	[simem:s7], [sflag:s8] =	dma.local @!p0 [hbm:s6], $0xF7A  }
0x23: {  	s9 =	sor.u32 $0xD0000000, s2;
	s6 =	simm.s32 $0x108;
	_ =	swait.ge @!p0 [sflag:s8], $0x0  }
0x24: {  	s3 =	sadd.s32 $0x88, s3;
	s6 =	simm.s32 @!p1 $0x1082;
	[sflag:s4] =	ssyncset.s32 $0xFFFFF086  }
0x25: {  	[simem:s6], [sflag:s4] =	dma.local [hbm:s3], $0xF7A  }
0x26: {  	[smem:$0x3F93] =	sst s1;
	(tag) =	ssettag s2;
	_ =	strace s9  }
0x27: {  	s1 =	sld [smem:$0x3FA3]  }
0x28: {  	s2 =	sld [smem:$0x3FA4]  }
0x29: {  	s4 =	sld [smem:$0x3FA6]  }
0x2a: {  	p0 =	seq.s32 s5, $0x0;
	s5 =	sld [smem:$0x3FA7]  }
0x2b: {  	s6 =	sld [smem:$0x3FA8]  }
0x2c: {  	s7 =	sld [smem:$0x3FA9]  }
0x2d: {  	s3 =	simm.s32 $0x108;
	s8 =	sld [smem:$0x3FAA]  }
0x2e: {  	s3 =	simm.s32 @!p0 $0x1082;
	s9 =	sld [smem:$0x3FAB]  }
0x2f: {  	lr =	sadd.s32 s0, s3;
	s0 =	sld [smem:$0x3FA2]  }
0x30: {  	s3 =	sld [smem:$0x3FA5]  }
0x31: {  	[smem:$0x3FAE] =	sst s10  }
0x32: {  	s10 =	sld [smem:$0x3FAC];
	_ =	sdelay $0x3  }
0x33: {  	p0 =	seq.s32 s10, $0x1;
	s10 =	sld [smem:$0x3FAE];
	_ =	sdelay $0x3  }
0x34: {  	[smem:$0x3FAE] =	sst s10  }
0x35: {  	s10 =	sld [smem:$0x3FAD];
	_ =	sdelay $0x3  }
0x36: {  	p1 =	seq.s32 s10, $0x1;
	s10 =	sld [smem:$0x3FAE];
	_ =	sdelay $0x3  }
0x37: {  	[smem:$0x3FAE] =	sst s10  }
0x38: {  	s10 =	sld [smem:$0x3FAF]  }
0x39: {  	_ = 	snop;
	(pc) =	sbr.ind lr, $3  }
0x3a: {  	_ = 	snop  }
0x3b: {  	_ = 	snop  }
0x3c: {  	p2 =	seq.s32 s10, $0x1;
	s10 =	sld [smem:$0x3FAE]  }
0x3d: {  	_ =	shalt  }
0x3e: {  	_ =	shalt  }
0x3f: {  	_ =	shalt  }
0x40: {  	_ =	shalt  }
0x41: {  	_ =	shalt  }
0x42: {  	_ =	shalt  }
0x43: {  	_ =	shalt  }
0x44: {  	_ =	shalt  }
0x45: {  	_ =	shalt  }
0x46: {  	_ =	shalt  }
0x47: {  	_ =	shalt  }
0x48: {  	_ =	shalt  }
0x49: {  	_ =	shalt  }
0x4a: {  	_ =	shalt  }
0x4b: {  	_ =	shalt  }
0x4c: {  	_ =	shalt  }
0x4d: {  	_ =	shalt  }
0x4e: {  	_ =	shalt  }
0x4f: {  	_ =	shalt  }
0x50: {  	_ =	shalt  }
0x51: {  	_ =	shalt  }
0x52: {  	_ =	shalt  }
0x53: {  	_ =	shalt  }
0x54: {  	_ =	shalt  }
0x55: {  	_ =	shalt  }
0x56: {  	_ =	shalt  }
0x57: {  	_ =	shalt  }
0x58: {  	_ =	shalt  }
0x59: {  	_ =	shalt  }
0x5a: {  	_ =	shalt  }
0x5b: {  	_ =	shalt  }
0x5c: {  	_ =	shalt  }
0x5d: {  	_ =	shalt  }
0x5e: {  	_ =	shalt  }
0x5f: {  	_ =	shalt  }
0x60: {  	_ =	shalt  }
0x61: {  	_ =	shalt  }
0x62: {  	_ =	shalt  }
0x63: {  	_ =	shalt  }
0x64: {  	_ =	shalt  }
0x65: {  	_ =	shalt  }
0x66: {  	_ =	shalt  }
0x67: {  	_ =	shalt  }
0x68: {  	_ =	shalt  }
0x69: {  	_ =	shalt  }
0x6a: {  	_ =	shalt  }
0x6b: {  	_ =	shalt  }
0x6c: {  	_ =	shalt  }
0x6d: {  	_ =	shalt  }
0x6e: {  	_ =	shalt  }
0x6f: {  	_ =	shalt  }
0x70: {  	_ =	shalt  }
0x71: {  	_ =	shalt  }
0x72: {  	_ =	shalt  }
0x73: {  	_ =	shalt  }
0x74: {  	_ =	shalt  }
0x75: {  	_ =	shalt  }
0x76: {  	_ =	shalt  }
0x77: {  	_ =	shalt  }
0x78: {  	_ =	shalt  }
0x79: {  	_ =	shalt  }
0x7a: {  	_ =	shalt  }
0x7b: {  	_ =	shalt  }
0x7c: {  	_ =	shalt  }
0x7d: {  	_ =	shalt  }
0x7e: {  	_ =	shalt  }
0x7f: {  	_ =	shalt  }
0x80: {  	_ =	shalt  }
0x81: {  	_ =	shalt  }
0x82: {  	_ =	shalt  }
0x83: {  	_ =	shalt  }
0x84: {  	_ =	shalt  }
0x85: {  	_ =	shalt  }
0x86: {  	_ =	shalt  }
0x87: {  	_ =	shalt  }
.Lfunc_end0:
.L_simem_size_0:
called_computation_lowered:
.L_overlay_start_0:
0x88: {  	s2 =	sld [smem:$0x3FD9]  }
0x89: {  	s3 =	sld [smem:$0x3FFE];
	_ =	sdelay $0x1  }
0x8a: {  	s1 =	srdreg.scid  }
0x8b: {  	s0 =	sand.u32 $0x1, s1  }
0x8c: {  	s17 =	sshll.u32 s0, $0xA;
	s2 =	sadd.s32 s3, s2  }
0x8d: {  	s2 =	sadd.s32 s2, s17  }
0x8e: {  	[smem:$0x3FBA] =	sst s2  }
0x8f: {  	_ = 	snop  }
0x90: {  	s2 =	sld [smem:$0x3FD0];
	(tm) =	ssettm $0x1  }
0x91: {  	s18 =	sld [smem:$0x3FFB];
	_ =	sdelay $0x3  }
0x92: {  	_ =	strace s18  }
0x93: {  	s3 =	sld [smem:$0x3FFC];
	_ =	sdelay $0x3  }
0x94: {  	_ =	strace s3  }
0x95: {  	s3 =	sld [smem:$0x3FFD];
	_ =	sdelay $0x3  }
0x96: {  	_ =	strace s3  }
0x97: {  	_ =	strace $0x8FFFFFFF  }
0x98: {  	s19 =	sld [smem:$0x3FDB];
	_ =	sdelay $0x1  }
0x99: {  	s4 =	simm.s32 $_scs_section_size  }
0x9a: {  	s5 =	simm.s32 $_size__tile_overlayer_lowered;
	s6 =	simm.s32 $_tile_overlayer_lowered  }
0x9b: {  	s22 =	simm.s32 $0x1BFF;
	s21 =	sshll.u32 s6, $0x1;
	s3 =	sadd.s32 s4, s19  }
0x9c: {  	s7 =	simm.s32 $0x0;
	s20 =	sshll.u32 s5, $0x1;
	s5 =	sadd.s32 s21, s3  }
0x9d: {  	[timem:s7], [sflag:s22] =	dma.local [hbm:s5], s20  }
0x9e: {  	_ =	swait.ge [sflag:s22], s20  }
0x9f: {  	s4 =	ssub.s32 $0x0, s20;
	[sflag:s22] =	ssyncset.done $0x0  }
0xa0: {  	[sflag:s22] =	ssyncadd.s32 s4;
	_ =	sdelay $0x1  }
0xa1: {  	s23 =	simm.s32 $0x1B8B  }
0xa2: {  	_ =	swait.ge [sflag:s23], $0x1  }
0xa3: {  	[sflag:s23] =	ssyncset.done $0x0  }
0xa4: {  	s25 =	simm.s32 $0x1B8E;
	s24 =	sld [smem:$0x3FFE];
	[sflag:s23] =	ssyncadd.s32 $0xFFFFFFFF  }
0xa5: {  	s26 =	simm.s32 $execute0_lowered;
	[smem:$0x3FD2] =	sst s25  }
0xa6: {  	s5 =	sshll.u32 s26, $0x1;
	_ =	strace $0x80000046;
	[dreg:$0x1] =	wrdreg $0xFFFFFFFF  }
0xa7: {  	s28 =	simm.s32 $_size_execute0_lowered;
	s3 =	sadd.s32 s3, s5;
	[dreg:$0x0] =	wrdreg $0x0  }
0xa8: {  	s5 =	sshll.u32 s28, $0x1;
	[dreg:$0x2] =	wrdreg s3  }
0xa9: {  	[dreg:$0x3] =	wrdreg s5  }
0xaa: {  	[dreg:$0x4] =	wrdreg $0xC0  }
0xab: {  	_ =	task [dreg:s7], $0x5FFFF  }
0xac: {  	[dreg:$0x1] =	wrdreg $0xFFFFFFFF  }
0xad: {  	[dreg:$0x0] =	wrdreg $0x60  }
0xae: {  	[dreg:$0x2] =	wrdreg s24  }
0xaf: {  	[dreg:$0x3] =	wrdreg s2  }
0xb0: {  	[dreg:$0x4] =	wrdreg $0x89800  }
0xb1: {  	[dreg:$0x5] =	wrdreg $0x129800  }
0xb2: {  	[dreg:$0x6] =	wrdreg $0x9  }
0xb3: {  	_ =	task.clear_ibuf [dreg:s7], $0x7FFFF;
	_ =	strace $0x90000046  }
0xb4: {  	s29 =	simm.s32 $0x9;
	_ =	strace $0x80000048  }
0xb5: {  	_ =	swait.ge [sflag:s29], $0x1  }
0xb6: {  	[sflag:s29] =	ssyncadd.s32 $0xFFFFFFFF  }
0xb7: {  	_ =	strace $0x90000048  }
0xb8: {  	_ =	sfence  }
0xb9: {  	s30 =	sld [smem:$0x0];
	_ =	sdelay $0x2  }
0xba: {  	s31 =	sshll.u32 s1, $0xD;
	s1 =	sshrl.u32 s1, $0x2  }
0xbb: {  	s3 =	sand.u32 $0x4000, s31;
	s1 =	sadd.s32 s1, s30  }
0xbc: {  	s0 =	sor.u32 s3, s0;
	s1 =	sshll.u32 s1, $0x11  }
0xbd: {  	s0 =	sor.u32 s1, s0  }
0xbe: {  	s0 =	sadd.s32 $0x8F2B, s0  }
0xbf: {  	[sflag:s0] =	ssyncadd.remote.s32 $0x1  }
0xc0: {  	_ =	sfence.sel $0xFFFF  }
0xc1: {  	[dreg:$0x0] =	wrdreg $0xFFFFFFFF;
	(pc) =	sbr.abs _section_cstart, $3  }
0xc2: {  	[dreg:$0x1] =	wrdreg $0xFFFFFFFF  }
0xc3: {  	_ =	task.clear_ibuf [dreg:s7], $0x2FFFF;
	_ =	strace $0x9FFFFFFF  }
0xc4: {  	(tm) =	ssettm $0x7FFFFFFF  }
0xc5: {  	_ =	shalt  }
tec
execute0_lowered:
.L_overlay_start_1:
0x0: {  	(tag) =	ssettag $0x1  }
0x1: {  	s0 =	rddreg [dreg:$0x0]  }
0x2: {  	s1 =	rddreg [dreg:$0x1]  }
0x3: {  	s2 =	rddreg [dreg:$0x2]  }
0x4: {  	s3 =	rddreg [dreg:$0x3]  }
0x5: {  	s5 =	srdreg.scid;
	s19 =	stileid.u32;
	s4 =	simm.s32 $0x0  }
0x6: {  	s28 =	simm.s32 $0x100;
	s29 =	simm.s32 $0x180;
	s30 =	simm.s32 $0x2180  }
0x7: {  	s31 =	simm.s32 $0x1;
	s9 =	sand.u32 $0x1, s5;
	s10 =	smul.u32 $0xA000, s19  }
0x8: {  	[smem:$0x7FF] =	sst s4;
	s5 =	sadd.s32 $0x52600, s0;
	s13 =	smul.u32 $0x280, s19  }
0x9: {  	s6 =	sadd.s32 $0x2600, s0;
	s7 =	sadd.s32 $0x84400, s0;
	s8 =	smul.u32 $0xA0000, s9  }
0xa: {  	_ =	strace $0x80000047;
	s12 =	ssub.s32 $0x2, s9;
	s15 =	smul.u32 $0x2800, s9  }
0xb: {  	s9 =	smul.u32 $0x28000, s9;
	s17 =	sshrl.u32 s12, $0x1;
	s14 =	sadd.s32 $0x80, s13  }
0xc: {  	s20 =	sadd.s32 s10, s2;
	s23 =	sadd.s32 $0x100, s13;
	s24 =	sadd.s32 $0x180, s13  }
0xd: {  	s13 =	sadd.s32 $0x200, s13;
	s8 =	sadd.s32 s10, s8;
	s16 =	sshll.u32 s14, $0x6  }
0xe: {  	s14 =	sshll.u32 s14, $0x4;
	s11 =	sshrl.u32 s8, $0x3;
	s8 =	sadd.s32 $0x7A600, s0  }
0xf: {  	s18 =	sadd.s32 s16, s2;
	s22 =	sadd.s32 s14, s3;
	s14 =	sshll.u32 s23, $0x4  }
0x10: {  	s0 =	sadd.s32 s11, s0;
	s11 =	ssub.s32 s12, s17;
	[dreg:$0x6] =	wrdreg s18  }
0x11: {  	s12 =	smul.u32 $0x2800, s19;
	[dreg:$0x7] =	wrdreg s22;
	s17 =	sshll.u32 s23, $0x6  }
0x12: {  	s18 =	sshll.u32 s24, $0x6;
	s26 =	sadd.s32 s14, s3;
	s22 =	sshll.u32 s13, $0x6  }
0x13: {  	s13 =	sshll.u32 s13, $0x4;
	s25 =	sadd.s32 s17, s2;
	[dreg:$0x9] =	wrdreg s26  }
0x14: {  	s19 =	smul.u32 $0x4E80, s19;
	s14 =	sadd.s32 s18, s2;
	[dreg:$0x8] =	wrdreg s25  }
0x15: {  	v0 =	vimm.s32 $0xBA98FEDC;
	v1 =	vimm.s32 $0x32107654;
	s17 =	sshll.u32 s24, $0x4;
	s23 =	sadd.s32 s22, s2;
	[dreg:$0xa] =	wrdreg s14  }
0x16: {  	v2 =	vimm.s32 $0xFEDCBA98;
	v0 =	vunpack.c.l.s4.s8 v0;
	v1 =	vunpack.c.l.s4.s8 v1;
	s24 =	sadd.s32 s13, s3;
	s0 =	sadd.s32 $0x8E200, s0;
	[dreg:$0xc] =	wrdreg s23  }
0x17: {  	v3 =	vimm.s32 $0x76543210;
	v2 =	vunpack.c.l.s4.s8 v2;
	s26 =	smax.u32 s11, $0x1;
	s21 =	sadd.s32 s12, s3;
	[dreg:$0xd] =	wrdreg s24  }
0x18: {  	v3 =	vunpack.c.l.s4.s8 v3;
	v0 =	vunpack.c.0.s8.s32 v0;
	v1 =	vunpack.c.0.s8.s32 v1;
	s18 =	sadd.s32 s17, s3;
	s9 =	sadd.s32 s12, s9;
	[dreg:$0xe] =	wrdreg s0  }
0x19: {  	v2 =	vunpack.c.0.s8.s32 v2;
	[dreg:$0x10] =	wrdreg s26;
	s23 =	simm.s32 $0x6180;
	s24 =	simm.s32 $0x3  }
0x1a: {  	v3 =	vunpack.c.0.s8.s32 v3;
	v4 =	vcombine.low v1, v0;
	s26 =	simm.s32 $0x80;
	[dreg:$0xb] =	wrdreg s18;
	s25 =	sshrl.u32 s9, $0x3  }
0x1b: {  	v0 =	vmov s15;
	v2 =	vand.u32 $0xF, v2;
	[dreg:$0x5] =	wrdreg s21;
	s0 =	sadd.s32 s1, s25;
	s25 =	simm.s32 $0x8180  }
0x1c: {  	v1 =	vimm.f32 $0.0e+00;
	v2 =	vcombine.low v2, v3;
	v3 =	vand.u32 $0xF, v4;
	s1 =	simm.s32 $0x0;
	[dreg:$0xf] =	wrdreg s0;
	s0 =	simm.s32 $0x2  }
.LBB2_1:
0x1d: {  	s9 =	simm.s32 $0x61A0  }
0x1e: {  	[tilespmem:s9+$0x0] =	vst v1  }
0x1f: {  	[tilespmem:s9+$0xFFFFFFE0] =	vst v1  }
0x20: {  	[tilespmem:s9+$0x10] =	vst v1  }
0x21: {  	s11 =	simm.s32 $0x40;
	s12 =	simm.s32 $0x0;
	[tilespmem:s9+$0xFFFFFFF0] =	vst v1  }
.LBB2_2:
0x22: {  	p0 =	sne.s32 s11, $0x1FC0  }
0x23: {  	[tilespmem:s12+$0x8180] =	vst v1;
	s9 =	sadd.s32 $0x40, s9;
	s12 =	smov.u32 s11;
	s11 =	sadd.s32 $0x40, s11  }
.Ltmp0:
0x24: {  	[tilespmem:s9+$0x0] =	vst v1;
	(pc) =	sbr.rel @p0 .LBB2_2-.Ltmp0, $4  }
0x25: {  	_ = 	snop  }
0x26: {  	[tilespmem:s9+$0xFFFFFFE0] =	vst v1  }
0x27: {  	[tilespmem:s9+$0x10] =	vst v1  }
0x28: {  	s12 =	sshra.s32 s12, $0x2;
	[tilespmem:s9+$0xFFFFFFF0] =	vst v1  }
0x29: {  	[tilespmem:s12+$0x8180] =	vst v1  }
0x2a: {  	[spmem:s20] =	stream.linear.scatter [tilespmem:s23], [sflag:$0x3], $0x2000, $0x38;
	[tilespmem:$0x15180] =	vst v63  }
0x2b: {  	_ =	swait.ge [sflag:s24], $0x2000  }
0x2c: {  	[sflag:s24] =	ssyncset.done $0x0  }
0x2d: {  	[sflag:s24] =	ssyncadd.s32 $0xFFFFE000  }
0x2e: {  	[spmem:s21] =	stream.linear.scatter [tilespmem:s25], [sflag:$0x3], $0x800, $0x38;
	[tilespmem:$0x15180] =	vst v63  }
0x2f: {  	_ =	swait.ge [sflag:s24], $0x800  }
0x30: {  	[sflag:s24] =	ssyncset.done $0x0  }
0x31: {  	s9 =	rddreg [dreg:$0x6];
	[sflag:s24] =	ssyncadd.s32 $0xFFFFF800  }
0x32: {  	[spmem:s9] =	stream.linear.scatter [tilespmem:s23], [sflag:$0x3], $0x2000, $0x38;
	[tilespmem:$0x15180] =	vst v63  }
0x33: {  	_ =	swait.ge [sflag:s24], $0x2000  }
0x34: {  	[sflag:s24] =	ssyncset.done $0x0  }
0x35: {  	s15 =	rddreg [dreg:$0x7];
	[sflag:s24] =	ssyncadd.s32 $0xFFFFE000  }
0x36: {  	[spmem:s15] =	stream.linear.scatter [tilespmem:s25], [sflag:$0x3], $0x800, $0x38;
	[tilespmem:$0x15180] =	vst v63  }
0x37: {  	_ =	swait.ge [sflag:s24], $0x800  }
0x38: {  	[sflag:s24] =	ssyncset.done $0x0  }
0x39: {  	s16 =	rddreg [dreg:$0x8];
	[sflag:s24] =	ssyncadd.s32 $0xFFFFF800  }
0x3a: {  	[spmem:s16] =	stream.linear.scatter [tilespmem:s23], [sflag:$0x3], $0x2000, $0x38;
	[tilespmem:$0x15180] =	vst v63  }
0x3b: {  	_ =	swait.ge [sflag:s24], $0x2000  }
0x3c: {  	[sflag:s24] =	ssyncset.done $0x0  }
0x3d: {  	s17 =	rddreg [dreg:$0x9];
	[sflag:s24] =	ssyncadd.s32 $0xFFFFE000  }
0x3e: {  	[spmem:s17] =	stream.linear.scatter [tilespmem:s25], [sflag:$0x3], $0x800, $0x38;
	[tilespmem:$0x15180] =	vst v63  }
0x3f: {  	_ =	swait.ge [sflag:s24], $0x800  }
0x40: {  	[sflag:s24] =	ssyncset.done $0x0  }
0x41: {  	s18 =	rddreg [dreg:$0xa];
	[sflag:s24] =	ssyncadd.s32 $0xFFFFF800  }
0x42: {  	[spmem:s18] =	stream.linear.scatter [tilespmem:s23], [sflag:$0x3], $0x2000, $0x38;
	[tilespmem:$0x15180] =	vst v63  }
0x43: {  	_ =	swait.ge [sflag:s24], $0x2000  }
0x44: {  	[sflag:s24] =	ssyncset.done $0x0  }
0x45: {  	s10 =	smov.u32 s20;
	s20 =	rddreg [dreg:$0xb];
	[sflag:s24] =	ssyncadd.s32 $0xFFFFE000  }
0x46: {  	[spmem:s20] =	stream.linear.scatter [tilespmem:s25], [sflag:$0x3], $0x800, $0x38;
	[tilespmem:$0x15180] =	vst v63  }
0x47: {  	_ =	swait.ge [sflag:s24], $0x800  }
0x48: {  	[sflag:s24] =	ssyncset.done $0x0  }
0x49: {  	s21 =	rddreg [dreg:$0xc];
	[sflag:s24] =	ssyncadd.s32 $0xFFFFF800  }
0x4a: {  	[spmem:s21] =	stream.linear.scatter [tilespmem:s23], [sflag:$0x3], $0x2000, $0x38;
	[tilespmem:$0x15180] =	vst v63  }
0x4b: {  	_ =	swait.ge [sflag:s24], $0x2000  }
0x4c: {  	[sflag:s24] =	ssyncset.done $0x0  }
0x4d: {  	s22 =	rddreg [dreg:$0xd];
	[sflag:s24] =	ssyncadd.s32 $0xFFFFE000  }
0x4e: {  	[spmem:s22] =	stream.linear.scatter [tilespmem:s25], [sflag:$0x3], $0x800, $0x38;
	[tilespmem:$0x15180] =	vst v63  }
0x4f: {  	_ =	swait.ge [sflag:s24], $0x800  }
0x50: {  	[sflag:s24] =	ssyncset.done $0x0  }
0x51: {  	[sflag:s24] =	ssyncadd.s32 $0xFFFFF800  }
0x52: {  	s11 =	simm.s32 $0x0;
	[bflag:$0x0] =	sbarrier.arrive $0xFFFF  }
.LBB2_4:
0x53: {  	s9 =	sshll.u32 s11, $0x7  }
0x54: {  	s9 =	sadd.s32 s19, s9  }
0x55: {  	s9 =	sshrl.u32 s9, $0x3  }
0x56: {  	s12 =	sadd.s32 s7, s9  }
0x57: {  	[tilespmem:s4], [sflag:$0x3] =	stream.linear.gather [hbm4b:s12+s4], $0x80, $0x38;
	[tilespmem:$0x15180] =	vst v63  }
0x58: {  	_ =	swait.ge [sflag:s24], $0x80  }
0x59: {  	[sflag:s24] =	ssyncset.done $0x0  }
0x5a: {  	s9 =	sadd.s32 s8, s9;
	[sflag:s24] =	ssyncadd.s32 $0xFFFFFF80  }
0x5b: {  	[tilespmem:s26], [sflag:$0x3] =	stream.linear.gather [hbm4b:s9+s4], $0x80, $0x38;
	[tilespmem:$0x15180] =	vst v63  }
0x5c: {  	_ =	swait.ge [sflag:s24], $0x80  }
0x5d: {  	[sflag:s24] =	ssyncset.done $0x0  }
0x5e: {  	[sflag:s24] =	ssyncadd.s32 $0xFFFFFF80  }
0x5f: {  	v4 =	vld [tilespmem:$0x0]  }
0x60: {  	v5 =	vld [tilespmem:$0x80]  }
0x61: {  	v6 =	vld [tilespmem:$0x10]  }
0x62: {  	v7 =	vld [tilespmem:$0x90]  }
0x63: {  	v8 =	vld [tilespmem:$0x20]  }
0x64: {  	v9 =	vld [tilespmem:$0xA0];
	v4 =	vadd.s32 v0, v4  }
0x65: {  	[tilespmem:$0x0] =	vst v4;
	v4 =	vadd.s32 v0, v5;
	v5 =	vld [tilespmem:$0x30]  }
0x66: {  	[tilespmem:$0x100] =	vst v4;
	v4 =	vadd.s32 v0, v6;
	v6 =	vld [tilespmem:$0xB0]  }
0x67: {  	[tilespmem:$0x10] =	vst v4;
	v4 =	vadd.s32 v0, v7;
	v7 =	vld [tilespmem:$0x40]  }
0x68: {  	[tilespmem:$0x110] =	vst v4;
	v4 =	vadd.s32 v0, v8;
	v8 =	vld [tilespmem:$0xC0]  }
0x69: {  	[tilespmem:$0x20] =	vst v4;
	v4 =	vadd.s32 v0, v9;
	v9 =	vld [tilespmem:$0x50]  }
0x6a: {  	[tilespmem:$0x120] =	vst v4;
	v4 =	vadd.s32 v0, v5;
	v5 =	vld [tilespmem:$0xD0]  }
0x6b: {  	[tilespmem:$0x30] =	vst v4;
	v4 =	vadd.s32 v0, v6;
	v6 =	vld [tilespmem:$0x60]  }
0x6c: {  	[tilespmem:$0x130] =	vst v4;
	v4 =	vadd.s32 v0, v7;
	v7 =	vld [tilespmem:$0xE0]  }
0x6d: {  	[tilespmem:$0x40] =	vst v4;
	v4 =	vadd.s32 v0, v8;
	v8 =	vld [tilespmem:$0x70]  }
0x6e: {  	[tilespmem:$0x140] =	vst v4;
	v4 =	vadd.s32 v0, v9;
	v9 =	vld [tilespmem:$0xF0]  }
0x6f: {  	[tilespmem:$0x50] =	vst v4;
	v4 =	vadd.s32 v0, v5  }
0x70: {  	[tilespmem:$0x150] =	vst v4;
	v4 =	vadd.s32 v0, v6  }
0x71: {  	[tilespmem:$0x60] =	vst v4;
	v4 =	vadd.s32 v0, v7  }
0x72: {  	[tilespmem:$0x160] =	vst v4;
	v4 =	vadd.s32 v0, v8  }
0x73: {  	[tilespmem:$0x70] =	vst v4;
	v4 =	vadd.s32 v0, v9  }
0x74: {  	[tilespmem:$0x170] =	vst v4  }
0x75: {  	[tilespmem:s29], [sflag:$0x1] =	stream.indirect.gather [hbm4b:s5+s26], $0x40, s28, s26, $0xb8;
	[tilespmem:$0x15180] =	vst v63  }
0x76: {  	_ = 	snop  }
0x77: {  	[tilespmem:s30], [sflag:$0x2] =	stream.indirect.gather [hbm4b:s6+s26], $0x80, s4, s26, $0xb8;
	[tilespmem:$0x15180] =	vst v63  }
0x78: {  	_ =	swait.ge [sflag:s31], $0x2000  }
0x79: {  	[sflag:s31] =	ssyncset.done $0x0  }
0x7a: {  	[sflag:s31] =	ssyncadd.s32 $0xFFFFE000  }
0x7b: {  	_ =	swait.ge [sflag:s0], $0x4000  }
0x7c: {  	[sflag:s0] =	ssyncset.done $0x0  }
0x7d: {  	s20 =	simm.s32 $0x200;
	[sflag:s0] =	ssyncadd.s32 $0xFFFFC000  }
0x7e: {  	s17 =	simm.s32 $0x2280;
	v4 =	vld [tilespmem:s20+$0x40]  }
0x7f: {  	v5 =	vld [tilespmem:s17+$0x80]  }
0x80: {  	v6 =	vld [tilespmem:s20+$0x50]  }
0x81: {  	v7 =	vld [tilespmem:s17+$0x90]  }
0x82: {  	v8 =	vld [tilespmem:s20+$0x60]  }
0x83: {  	v9 =	vld [tilespmem:s17+$0xA0]  }
0x84: {  	v10 =	vld [tilespmem:s20+$0x70]  }
0x85: {  	v11 =	vld [tilespmem:s17+$0xB0]  }
0x86: {  	v4 =	vmul.f32 v5, v4;
	v5 =	vmul.f32 v7, v6;
	_ =	sdelay $0x1  }
0x87: {  	v4 =	vadd.f32 v5, v4;
	v5 =	vmul.f32 v9, v8;
	_ =	sdelay $0x1  }
0x88: {  	v4 =	vadd.f32 v5, v4;
	v5 =	vmul.f32 v11, v10;
	_ =	sdelay $0x1  }
0x89: {  	v12 =	vld [tilespmem:s17+$0xFFFFFF90];
	v4 =	vadd.f32 v5, v4  }
0x8a: {  	v13 =	vld [tilespmem:s17+$0x0]  }
0x8b: {  	v14 =	vld [tilespmem:s20+$0x10];
	v5 =	vperm.xlane v4, v2  }
0x8c: {  	v15 =	vld [tilespmem:s17+$0x10]  }
0x8d: {  	v16 =	vld [tilespmem:s20+$0xFFFFFF80];
	v4 =	vadd.f32 v4, v5  }
0x8e: {  	v17 =	vld [tilespmem:s20+$0xFFFFFFA0]  }
0x8f: {  	v18 =	vld [tilespmem:s17+$0xFFFFFF20];
	v6 =	vperm.xlane v4, v3  }
0x90: {  	v19 =	vld [tilespmem:s20+$0xFFFFFFE0]  }
0x91: {  	v20 =	vld [tilespmem:s17+$0xFFFFFFA0];
	v4 =	vadd.f32 v4, v6  }
0x92: {  	v21 =	vld [tilespmem:s20+$0x20]  }
0x93: {  	v23 =	vld [tilespmem:s17+$0x20];
	v4 =	vmul.f32 $1.442695020e+00, v4  }
0x94: {  	v24 =	vld [tilespmem:s20+$0xFFFFFFB0]  }
0x95: {  	v25 =	vld [tilespmem:s17+$0xFFFFFF30];
	(erf) = vpow2.f32 v4  }
0x96: {  	v26 =	vld [tilespmem:s20+$0xFFFFFFF0]  }
0x97: {  	v27 =	vld [tilespmem:s17+$0xFFFFFFB0]  }
0x98: {  	v28 =	vld [tilespmem:s20+$0x30]  }
0x99: {  	s15 =	simm.s32 $0x300;
	v29 =	vld [tilespmem:s17+$0x30]  }
0x9a: {  	v30 =	vld [tilespmem:s15+$0x40]  }
0x9b: {  	v7 =	vld [tilespmem:s20+$0xFFFFFF90]  }
0x9c: {  	v9 =	vld [tilespmem:s17+$0xFFFFFF10]  }
0x9d: {  	v10 =	vld [tilespmem:s17+$0xFFFFFF80]  }
0x9e: {  	s14 =	simm.s32 $0x81A0;
	v11 =	vld [tilespmem:s20+$0xFFFFFFD0];
	v8 =	vpop (erf)  }
0x9f: {  	v5 =	vld [tilespmem:s17+$0xFFFFFF00];
	[tilespmem:s14+$0x10] =	vst v8  }
0xa0: {  	v22 =	vld [tilespmem:s17+$0xC0]  }
0xa1: {  	v6 =	vld [tilespmem:s20+$0xFFFFFFC0]  }
0xa2: {  	v4 =	vld [tilespmem:s20+$0x0]  }
0xa3: {  	s12 =	simm.s32 $0x2480;
	v32 =	vld [tilespmem:s15+$0x50]  }
0xa4: {  	v7 =	vmul.f32 v9, v7;
	v9 =	vld [tilespmem:s12+$0x90]  }
0xa5: {  	v31 =	vld [tilespmem:s12+$0x80];
	v22 =	vmul.f32 v8, v22  }
0xa6: {  	s13 =	simm.s32 $0x6200;
	v6 =	vmul.f32 v10, v6;
	v10 =	vmul.f32 v12, v11;
	v11 =	vld [tilespmem:s15+$0x60]  }
0xa7: {  	v5 =	vmul.f32 v5, v16;
	v4 =	vmul.f32 v13, v4;
	v13 =	vld [tilespmem:s12+$0xA0];
	[tilespmem:s13+$0x40] =	vst v22  }
0xa8: {  	v12 =	vmul.f32 v15, v14;
	v22 =	vld [tilespmem:s17+$0xD0]  }
0xa9: {  	v9 =	vmul.f32 v9, v32;
	v5 =	vadd.f32 v7, v5;
	v7 =	vmul.f32 v18, v17;
	v15 =	vld [tilespmem:s12+$0xB0]  }
0xaa: {  	v6 =	vadd.f32 v10, v6;
	v10 =	vld [tilespmem:s15+$0x70];
	v4 =	vadd.f32 v12, v4;
	v12 =	vmul.f32 v20, v19  }
0xab: {  	v63 =	vld [tilespmem:s15+$0xFFFFFFB0];
	v16 =	vmul.f32 v27, v26;
	v5 =	vadd.f32 v7, v5;
	v7 =	vmul.f32 v31, v30  }
0xac: {  	v44 =	vld [tilespmem:s12+$0xFFFFFF30];
	v14 =	vmul.f32 v23, v21;
	v6 =	vadd.f32 v12, v6;
	v12 =	vmul.f32 v25, v24  }
0xad: {  	v47 =	vld [tilespmem:s15+$0xFFFFFFF0];
	v7 =	vadd.f32 v9, v7;
	v9 =	vmul.f32 v13, v11;
	v17 =	vmul.f32 v8, v22  }
0xae: {  	v33 =	vld [tilespmem:s12+$0xFFFFFFB0];
	v4 =	vadd.f32 v14, v4;
	v11 =	vmul.f32 v29, v28;
	v5 =	vadd.f32 v12, v5  }
0xaf: {  	v34 =	vld [tilespmem:s15+$0x30];
	v6 =	vadd.f32 v16, v6;
	v7 =	vadd.f32 v9, v7;
	v9 =	vmul.f32 v15, v10;
	[tilespmem:s13+$0x50] =	vst v17  }
0xb0: {  	v4 =	vadd.f32 v11, v4;
	v10 =	vperm.xlane v5, v2;
	v11 =	vld [tilespmem:s17+$0xE0]  }
0xb1: {  	s16 =	simm.s32 $0x400;
	v35 =	vld [tilespmem:s12+$0x30];
	v12 =	vperm.xlane v6, v2;
	v7 =	vadd.f32 v9, v7  }
0xb2: {  	v38 =	vld [tilespmem:s16+$0x60];
	v9 =	vperm.xlane v4, v2;
	v5 =	vadd.f32 v5, v10  }
0xb3: {  	v39 =	vld [tilespmem:s16+$0x40];
	v6 =	vadd.f32 v6, v12;
	v10 =	vperm.xlane v7, v2  }
0xb4: {  	v49 =	vld [tilespmem:s16+$0x10];
	v4 =	vadd.f32 v4, v9;
	v12 =	vperm.xlane v5, v3  }
0xb5: {  	v51 =	vld [tilespmem:s16+$0xFFFFFF80];
	v9 =	vperm.xlane v6, v3;
	v7 =	vadd.f32 v7, v10;
	v11 =	vmul.f32 v11, v8  }
0xb6: {  	v52 =	vld [tilespmem:s16+$0xFFFFFFA0];
	v10 =	vperm.xlane v4, v3;
	v5 =	vadd.f32 v5, v12  }
0xb7: {  	v54 =	vld [tilespmem:s16+$0xFFFFFFE0];
	v6 =	vadd.f32 v6, v9;
	[tilespmem:s13+$0x60] =	vst v11;
	v11 =	vperm.xlane v7, v3  }
0xb8: {  	v56 =	vld [tilespmem:s16+$0x20];
	v4 =	vadd.f32 v4, v10;
	v5 =	vmul.f32 $1.442695020e+00, v5  }
0xb9: {  	v58 =	vld [tilespmem:s16+$0xFFFFFFB0];
	v6 =	vmul.f32 $1.442695020e+00, v6;
	v7 =	vadd.f32 v7, v11  }
0xba: {  	v41 =	vld [tilespmem:s16+$0xFFFFFFF0];
	v4 =	vmul.f32 $1.442695020e+00, v4;
	(erf) = vpow2.f32 v5  }
0xbb: {  	v26 =	vld [tilespmem:s15+$0x20];
	(erf) = vpow2.f32 v6;
	v7 =	vmul.f32 $1.442695020e+00, v7  }
0xbc: {  	v18 =	vld [tilespmem:s15+$0xFFFFFFD0];
	(erf) = vpow2.f32 v4  }
0xbd: {  	v21 =	vld [tilespmem:s15+$0xFFFFFF80];
	(erf) = vpow2.f32 v7  }
0xbe: {  	v23 =	vld [tilespmem:s12+$0xFFFFFF20]  }
0xbf: {  	v19 =	vld [tilespmem:s12+$0x0]  }
0xc0: {  	v20 =	vld [tilespmem:s15+$0x10]  }
0xc1: {  	v14 =	vld [tilespmem:s15+$0xFFFFFF90]  }
0xc2: {  	v15 =	vld [tilespmem:s12+$0xFFFFFF10]  }
0xc3: {  	v24 =	vld [tilespmem:s15+$0xFFFFFFE0];
	v12 =	vpop (erf)  }
0xc4: {  	v25 =	vld [tilespmem:s12+$0xFFFFFFA0];
	v10 =	vpop (erf)  }
0xc5: {  	v13 =	vld [tilespmem:s12+$0xFFFFFF00];
	v4 =	vpop (erf)  }
0xc6: {  	s21 =	simm.s32 $0x81E0;
	v16 =	vld [tilespmem:s15+$0xFFFFFFC0];
	v11 =	vpop (erf)  }
0xc7: {  	v14 =	vmul.f32 v15, v14;
	v15 =	vld [tilespmem:s16+$0x50];
	[tilespmem:s21+$0x10] =	vst v11  }
0xc8: {  	v45 =	vld [tilespmem:s12+$0xC0]  }
0xc9: {  	v5 =	vld [tilespmem:s12+$0xFFFFFF90]  }
0xca: {  	v6 =	vld [tilespmem:s15+$0x0]  }
0xcb: {  	v22 =	vld [tilespmem:s15+$0xFFFFFFA0]  }
0xcc: {  	v17 =	vld [tilespmem:s12+$0xFFFFFF80];
	[tilespmem:s14+$0xFFFFFFF0] =	vst v10  }
0xcd: {  	[tilespmem:s14+$0xFFFFFFE0] =	vst v12;
	v36 =	vld [tilespmem:s17+$0xFFFFFFC0];
	v30 =	vmul.f32 v11, v45  }
0xce: {  	s15 =	simm.s32 $0x2680;
	[tilespmem:s14+$0x0] =	vst v4;
	s14 =	simm.s32 $0x6300;
	v7 =	vld [tilespmem:s12+$0x10]  }
0xcf: {  	v40 =	vld [tilespmem:s15+$0x80];
	[tilespmem:s14+$0x40] =	vst v30  }
0xd0: {  	v30 =	vld [tilespmem:s12+$0xD0]  }
0xd1: {  	v5 =	vmul.f32 v5, v18;
	v16 =	vmul.f32 v17, v16;
	v17 =	vld [tilespmem:s15+$0x90]  }
0xd2: {  	v27 =	vld [tilespmem:s12+$0x20];
	v13 =	vmul.f32 v13, v21;
	v6 =	vmul.f32 v19, v6  }
0xd3: {  	v18 =	vld [tilespmem:s15+$0xA0];
	v5 =	vadd.f32 v5, v16;
	v16 =	vmul.f32 v10, v36;
	v7 =	vmul.f32 v7, v20  }
0xd4: {  	v21 =	vld [tilespmem:s16+$0x70];
	v13 =	vadd.f32 v14, v13;
	v14 =	vmul.f32 v23, v22  }
0xd5: {  	[tilespmem:s13+$0xFFFFFFC0] =	vst v16;
	v16 =	vld [tilespmem:s15+$0xB0];
	v6 =	vadd.f32 v7, v6;
	v7 =	vmul.f32 v25, v24;
	v30 =	vmul.f32 v11, v30  }
0xd6: {  	s18 =	simm.s32 $0x2880;
	v43 =	vld [tilespmem:s16+$0x30];
	v13 =	vadd.f32 v14, v13;
	v14 =	vmul.f32 v40, v39;
	v15 =	vmul.f32 v17, v15  }
0xd7: {  	v62 =	vld [tilespmem:s18+$0xA0];
	v22 =	vmul.f32 v27, v26;
	v5 =	vadd.f32 v7, v5;
	v7 =	vmul.f32 v44, v63;
	[tilespmem:s14+$0x50] =	vst v30  }
0xd8: {  	v17 =	vmul.f32 v33, v47;
	v14 =	vadd.f32 v15, v14;
	v15 =	vmul.f32 v18, v38;
	v19 =	vld [tilespmem:s12+$0xE0]  }
0xd9: {  	v48 =	vld [tilespmem:s15+$0x0];
	v6 =	vadd.f32 v22, v6;
	v7 =	vadd.f32 v7, v13;
	v13 =	vmul.f32 v35, v34  }
0xda: {  	v50 =	vld [tilespmem:s15+$0x10];
	v14 =	vadd.f32 v15, v14;
	v15 =	vmul.f32 v16, v21;
	v5 =	vadd.f32 v17, v5  }
0xdb: {  	v53 =	vld [tilespmem:s15+$0xFFFFFF20];
	v16 =	vperm.xlane v7, v2;
	v6 =	vadd.f32 v13, v6  }
0xdc: {  	v55 =	vld [tilespmem:s15+$0xFFFFFFA0];
	v14 =	vadd.f32 v15, v14;
	v21 =	vperm.xlane v5, v2  }
0xdd: {  	v57 =	vld [tilespmem:s15+$0x20];
	v7 =	vadd.f32 v7, v16;
	v15 =	vperm.xlane v6, v2;
	v17 =	vmul.f32 v19, v11  }
0xde: {  	v59 =	vld [tilespmem:s15+$0xFFFFFF30];
	v5 =	vadd.f32 v5, v21;
	v16 =	vperm.xlane v14, v2  }
0xdf: {  	v46 =	vld [tilespmem:s17+$0xFFFFFF40];
	v6 =	vadd.f32 v6, v15;
	[tilespmem:s14+$0x60] =	vst v17;
	v17 =	vperm.xlane v7, v3  }
0xe0: {  	v42 =	vld [tilespmem:s15+$0xFFFFFFB0];
	v15 =	vperm.xlane v5, v3;
	v14 =	vadd.f32 v14, v16  }
0xe1: {  	v26 =	vld [tilespmem:s15+$0xFFFFFF90];
	v16 =	vperm.xlane v6, v3;
	v7 =	vadd.f32 v7, v17  }
0xe2: {  	v27 =	vld [tilespmem:s16+$0x0];
	v5 =	vadd.f32 v5, v15;
	v15 =	vperm.xlane v14, v3  }
0xe3: {  	v40 =	vld [tilespmem:s18+$0xB0];
	v6 =	vadd.f32 v6, v16;
	v7 =	vmul.f32 $1.442695020e+00, v7  }
0xe4: {  	v9 =	vld [tilespmem:s17+$0xF0];
	v31 =	vmul.f32 v12, v46;
	v5 =	vmul.f32 $1.442695020e+00, v5;
	v14 =	vadd.f32 v14, v15  }
0xe5: {  	s20 =	simm.s32 $0x500;
	v37 =	vld [tilespmem:s17+$0x40];
	v6 =	vmul.f32 $1.442695020e+00, v6;
	(erf) = vpow2.f32 v7  }
0xe6: {  	v47 =	vld [tilespmem:s20+$0x40];
	(erf) = vpow2.f32 v5;
	v5 =	vmul.f32 $1.442695020e+00, v14  }
0xe7: {  	v18 =	vld [tilespmem:s16+$0xFFFFFF90];
	(erf) = vpow2.f32 v6  }
0xe8: {  	v38 =	vld [tilespmem:s20+$0x70];
	[tilespmem:s13+$0xFFFFFF80] =	vst v31;
	(erf) = vpow2.f32 v5  }
0xe9: {  	v31 =	vld [tilespmem:s17+$0xFFFFFF50]  }
0xea: {  	v23 =	vld [tilespmem:s17+$0xFFFFFFD0];
	v20 =	vmul.f32 v4, v37  }
0xeb: {  	v24 =	vld [tilespmem:s15+$0xFFFFFF10]  }
0xec: {  	[tilespmem:s13+$0x0] =	vst v20;
	v25 =	vld [tilespmem:s15+$0xFFFFFF80]  }
0xed: {  	v20 =	vld [tilespmem:s17+$0x50]  }
0xee: {  	v22 =	vld [tilespmem:s15+$0xFFFFFF00];
	v7 =	vpop (erf)  }
0xef: {  	v63 =	vmul.f32 v55, v54;
	v54 =	vld [tilespmem:s18+$0x0];
	v6 =	vpop (erf)  }
0xf0: {  	v55 =	vld [tilespmem:s20+$0x10];
	v5 =	vpop (erf)  }
0xf1: {  	s22 =	simm.s32 $0x8220;
	v18 =	vmul.f32 v24, v18;
	v24 =	vld [tilespmem:s18+$0x90];
	v16 =	vmul.f32 v12, v31;
	[tilespmem:s21+$0xFFFFFFF0] =	vst v6;
	v14 =	vpop (erf)  }
0xf2: {  	v17 =	vld [tilespmem:s12+$0xFFFFFFC0];
	[tilespmem:s22+$0x10] =	vst v14  }
0xf3: {  	v22 =	vmul.f32 v22, v51;
	[tilespmem:s13+$0xFFFFFF90] =	vst v16;
	v16 =	vmul.f32 v10, v23;
	v23 =	vld [tilespmem:s15+$0xC0]  }
0xf4: {  	v20 =	vmul.f32 v4, v20;
	v51 =	vld [tilespmem:s20+$0x0]  }
0xf5: {  	v21 =	vld [tilespmem:s16+$0xFFFFFFD0];
	v18 =	vadd.f32 v18, v22;
	v22 =	vmul.f32 v53, v52  }
0xf6: {  	[tilespmem:s13+$0x10] =	vst v20;
	v45 =	vld [tilespmem:s15+$0x30]  }
0xf7: {  	v46 =	vld [tilespmem:s17+$0x60];
	v18 =	vadd.f32 v22, v18;
	v22 =	vmul.f32 v59, v58  }
0xf8: {  	v58 =	vld [tilespmem:s20+$0xFFFFFFA0];
	[tilespmem:s13+$0xFFFFFFD0] =	vst v16;
	v16 =	vmul.f32 v6, v17;
	v17 =	vmul.f32 v14, v23  }
0xf9: {  	v19 =	vld [tilespmem:s16+$0xFFFFFFC0];
	s16 =	simm.s32 $0x6400  }
0xfa: {  	v44 =	vld [tilespmem:s17+$0xFFFFFF60];
	[tilespmem:s16+$0x40] =	vst v17  }
0xfb: {  	v61 =	vld [tilespmem:s15+$0xD0]  }
0xfc: {  	v59 =	vld [tilespmem:s20+$0x20]  }
0xfd: {  	v21 =	vmul.f32 v26, v21;
	v26 =	vld [tilespmem:s20+$0x50]  }
0xfe: {  	v20 =	vld [tilespmem:s17+$0xFFFFFFE0]  }
0xff: {  	v19 =	vmul.f32 v25, v19;
	v25 =	vld [tilespmem:s18+$0x80];
	v23 =	vmul.f32 v44, v12  }
0x100: {  	v13 =	vld [tilespmem:s12+$0xF0];
	v44 =	vmul.f32 v14, v61  }
0x101: {  	v8 =	vmul.f32 v9, v8;
	v18 =	vadd.f32 v22, v18;
	v22 =	vmul.f32 v42, v41;
	[tilespmem:s13+$0xFFFFFFA0] =	vst v23;
	v23 =	vld [tilespmem:s20+$0x60]  }
0x102: {  	v24 =	vmul.f32 v24, v26;
	v26 =	vmul.f32 v45, v43;
	v45 =	vld [tilespmem:s18+$0xFFFFFF10];
	[tilespmem:s16+$0x50] =	vst v44  }
0x103: {  	v19 =	vadd.f32 v21, v19;
	v21 =	vmul.f32 v48, v27;
	v27 =	vmul.f32 v50, v49;
	[tilespmem:s21+$0xFFFFFFE0] =	vst v7;
	v36 =	vld [tilespmem:s15+$0xE0]  }
0x104: {  	[tilespmem:s13+$0x70] =	vst v8;
	v8 =	vmul.f32 v20, v10;
	v25 =	vmul.f32 v25, v47;
	v15 =	vld [tilespmem:s12+$0xFFFFFF40]  }
0x105: {  	v20 =	vld [tilespmem:s18+$0xFFFFFF30];
	v21 =	vadd.f32 v27, v21;
	v27 =	vmul.f32 v57, v56;
	v19 =	vadd.f32 v63, v19;
	[tilespmem:s21+$0x0] =	vst v5  }
0x106: {  	v9 =	vmul.f32 v13, v11;
	v24 =	vadd.f32 v24, v25;
	v60 =	vld [tilespmem:s12+$0x40];
	v23 =	vmul.f32 v62, v23  }
0x107: {  	v50 =	vld [tilespmem:s20+$0xFFFFFFD0];
	v47 =	vperm.xlane v18, v2;
	v21 =	vadd.f32 v27, v21;
	v19 =	vadd.f32 v22, v19  }
0x108: {  	v13 =	vld [tilespmem:s20+$0xFFFFFFB0];
	v23 =	vadd.f32 v23, v24;
	v24 =	vmul.f32 v40, v38;
	v25 =	vmul.f32 v36, v14  }
0x109: {  	v56 =	vld [tilespmem:s18+$0x10];
	v21 =	vadd.f32 v26, v21;
	v15 =	vmul.f32 v7, v15  }
0x10a: {  	v27 =	vld [tilespmem:s18+$0xFFFFFF00];
	v18 =	vadd.f32 v18, v47;
	v23 =	vadd.f32 v24, v23;
	[tilespmem:s16+$0x60] =	vst v25;
	v25 =	vperm.xlane v19, v2  }
0x10b: {  	v22 =	vld [tilespmem:s20+$0xFFFFFFC0];
	v49 =	vperm.xlane v21, v2;
	[tilespmem:s14+$0xFFFFFF80] =	vst v15;
	v15 =	vmul.f32 v5, v60  }
0x10c: {  	v26 =	vld [tilespmem:s18+$0xFFFFFF80];
	v52 =	vperm.xlane v23, v2;
	v19 =	vadd.f32 v19, v25;
	v25 =	vperm.xlane v18, v3  }
0x10d: {  	v21 =	vadd.f32 v21, v49;
	v31 =	vld [tilespmem:s12+$0xFFFFFF50];
	[tilespmem:s14+$0xFFFFFFC0] =	vst v16  }
0x10e: {  	v16 =	vld [tilespmem:s12+$0xFFFFFFD0];
	[tilespmem:s14+$0x0] =	vst v15;
	v23 =	vadd.f32 v23, v52;
	v53 =	vperm.xlane v19, v3;
	v18 =	vadd.f32 v18, v25  }
0x10f: {  	v15 =	vld [tilespmem:s12+$0x50];
	v25 =	vperm.xlane v21, v3  }
0x110: {  	v44 =	vld [tilespmem:s20+$0xFFFFFF90];
	v57 =	vperm.xlane v23, v3;
	v19 =	vadd.f32 v19, v53;
	v18 =	vmul.f32 $1.442695020e+00, v18  }
0x111: {  	v24 =	vld [tilespmem:s18+$0xFFFFFF90];
	v21 =	vadd.f32 v21, v25  }
0x112: {  	v23 =	vadd.f32 v23, v57;
	v25 =	vld [tilespmem:s20+$0xFFFFFF80];
	v19 =	vmul.f32 $1.442695020e+00, v19;
	(erf) = vpow2.f32 v18  }
0x113: {  	v18 =	vmul.f32 $1.442695020e+00, v21;
	v21 =	vld [tilespmem:s18+$0xFFFFFF20]  }
0x114: {  	v23 =	vmul.f32 $1.442695020e+00, v23;
	(erf) = vpow2.f32 v19;
	v19 =	vld [tilespmem:s20+$0xFFFFFFE0]  }
0x115: {  	(erf) = vpow2.f32 v18;
	v18 =	vld [tilespmem:s18+$0xFFFFFFA0]  }
0x116: {  	[tilespmem:s13+$0xFFFFFFE0] =	vst v8;
	v8 =	vmul.f32 v26, v22;
	v17 =	vld [tilespmem:s17+$0xFFFFFF70];
	(erf) = vpow2.f32 v23  }
0x117: {  	v26 =	vmul.f32 v54, v51;
	v22 =	vmul.f32 v24, v50;
	v23 =	vld [tilespmem:s18+$0x20]  }
0x118: {  	v11 =	vmul.f32 v45, v44;
	v24 =	vld [tilespmem:s18+$0xFFFFFFB0];
	v25 =	vmul.f32 v27, v25  }
0x119: {  	v16 =	vmul.f32 v6, v16;
	v61 =	vmul.f32 v56, v55;
	v22 =	vadd.f32 v22, v8;
	v27 =	vld [tilespmem:s20+$0xFFFFFFF0]  }
0x11a: {  	[tilespmem:s14+$0x70] =	vst v9;
	v48 =	vld [tilespmem:s15+$0xF0];
	v11 =	vadd.f32 v11, v25;
	v21 =	vmul.f32 v21, v58;
	v18 =	vmul.f32 v18, v19  }
0x11b: {  	v13 =	vmul.f32 v20, v13;
	v62 =	vmul.f32 v7, v31;
	[tilespmem:s14+$0xFFFFFFD0] =	vst v16;
	v26 =	vadd.f32 v61, v26;
	v25 =	vld [tilespmem:s20+$0x30];
	v9 =	vpop (erf)  }
0x11c: {  	v21 =	vadd.f32 v21, v11;
	v19 =	vld [tilespmem:s18+$0x30];
	[tilespmem:s22+$0xFFFFFFE0] =	vst v9;
	v18 =	vadd.f32 v18, v22;
	v22 =	vmul.f32 v23, v59  }
0x11d: {  	v12 =	vmul.f32 v17, v12;
	[tilespmem:s14+$0xFFFFFF90] =	vst v62;
	v8 =	vpop (erf);
	v20 =	vld [tilespmem:s15+$0xFFFFFF40]  }
0x11e: {  	v24 =	vmul.f32 v24, v27;
	v21 =	vadd.f32 v13, v21;
	[tilespmem:s22+$0xFFFFFFF0] =	vst v8;
	v11 =	vpop (erf);
	v17 =	vadd.f32 v22, v26;
	v22 =	vld [tilespmem:s12+$0xFFFFFF60]  }
0x11f: {  	s21 =	simm.s32 $0x8260;
	v15 =	vmul.f32 v5, v15;
	[tilespmem:s22+$0x0] =	vst v11;
	v23 =	vld [tilespmem:s15+$0xFFFFFFC0];
	v13 =	vpop (erf)  }
0x120: {  	v16 =	vadd.f32 v24, v18;
	v18 =	vperm.xlane v21, v2;
	v27 =	vld [tilespmem:s15+$0x40];
	[tilespmem:s21+$0x10] =	vst v13  }
0x121: {  	[tilespmem:s14+$0x10] =	vst v15;
	v14 =	vmul.f32 v48, v14;
	v19 =	vmul.f32 v19, v25;
	v24 =	vld [tilespmem:s18+$0xC0]  }
0x122: {  	[tilespmem:s13+$0xFFFFFFB0] =	vst v12;
	v25 =	vld [tilespmem:s12+$0xFFFFFFE0];
	v18 =	vadd.f32 v21, v18;
	v15 =	vmul.f32 v9, v20  }
0x123: {  	v60 =	vmul.f32 v46, v4;
	[tilespmem:s16+$0x70] =	vst v14;
	v12 =	vperm.xlane v16, v2;
	v17 =	vadd.f32 v19, v17;
	v19 =	vld [tilespmem:s12+$0x60]  }
0x124: {  	v26 =	vld [tilespmem:s17+$0xFFFFFFF0];
	v14 =	vperm.xlane v18, v3;
	[tilespmem:s16+$0xFFFFFF80] =	vst v15;
	v15 =	vmul.f32 v8, v23  }
0x125: {  	[tilespmem:s13+$0x20] =	vst v60;
	v21 =	vmul.f32 v11, v27;
	v27 =	vadd.f32 v16, v12;
	v16 =	vperm.xlane v17, v2;
	v63 =	vld [tilespmem:s15+$0xFFFFFF50]  }
0x126: {  	v18 =	vadd.f32 v18, v14;
	v12 =	vld [tilespmem:s17+$0x70];
	v23 =	vmul.f32 v13, v24;
	[tilespmem:s16+$0xFFFFFFC0] =	vst v15  }
0x127: {  	s17 =	simm.s32 $0x6500;
	v15 =	vmul.f32 v22, v7;
	v24 =	vperm.xlane v27, v3;
	v20 =	vadd.f32 v17, v16;
	v16 =	vld [tilespmem:s15+$0xFFFFFFD0];
	[tilespmem:s16+$0x0] =	vst v21  }
0x128: {  	v19 =	vmul.f32 v19, v5;
	v17 =	vmul.f32 v25, v6;
	[tilespmem:s17+$0x40] =	vst v23;
	v14 =	vld [tilespmem:s15+$0x50]  }
0x129: {  	v22 =	vmul.f32 $1.442695020e+00, v18;
	[tilespmem:s14+$0xFFFFFFA0] =	vst v15;
	v23 =	vperm.xlane v20, v3;
	v18 =	vld [tilespmem:s18+$0xD0];
	v24 =	vadd.f32 v27, v24  }
0x12a: {  	s9 =	simm.s32 $0x600;
	s20 =	simm.s32 $0x2880;
	s22 =	simm.s32 $0xC;
	v15 =	vld [tilespmem:s12+$0xFFFFFF70];
	[tilespmem:s14+$0xFFFFFFE0] =	vst v17;
	v17 =	vmul.f32 v26, v10;
	v21 =	vmul.f32 v9, v63  }
.LBB2_5:
0x12b: {  	v10 =	vld [tilespmem:s9+$0x60];
	v24 =	vmul.f32 $1.442695020e+00, v24;
	v20 =	vadd.f32 v20, v23;
	(erf) = vpow2.f32 v22;
	[tilespmem:s14+$0x20] =	vst v19  }
0x12c: {  	s18 =	sadd.s32 $0x200, s18;
	v12 =	vmul.f32 v12, v4;
	v4 =	vmovc v5;
	v5 =	vmov v11;
	v19 =	vld [tilespmem:s9+$0x40];
	[tilespmem:s16+$0xFFFFFF90] =	vst v21;
	v16 =	vmul.f32 v8, v16  }
0x12d: {  	v11 =	vld [tilespmem:s18+$0x80];
	v20 =	vmul.f32 $1.442695020e+00, v20;
	(erf) = vpow2.f32 v24;
	[tilespmem:s13+$0xFFFFFFF0] =	vst v17  }
0x12e: {  	v14 =	vmul.f32 v5, v14;
	v17 =	vld [tilespmem:s9+$0x50];
	v18 =	vmul.f32 v13, v18;
	[tilespmem:s16+$0xFFFFFFD0] =	vst v16  }
0x12f: {  	s22 =	sadd.s32 $0x4, s22;
	v16 =	vld [tilespmem:s18+$0x90];
	(erf) = vpow2.f32 v20;
	v15 =	vmul.f32 v15, v7;
	[tilespmem:s13+$0x30] =	vst v12;
	v7 =	vmov v9;
	s13 =	smov.u32 s14;
	s14 =	smov.u32 s16  }
0x130: {  	p0 =	slt.u32 s22, $0x7C;
	s16 =	smov.u32 s17;
	v12 =	vld [tilespmem:s18+$0xA0];
	[tilespmem:s17+$0x50] =	vst v18  }
0x131: {  	v18 =	vld [tilespmem:s20+$0xE0];
	[tilespmem:s14+$0x10] =	vst v14  }
0x132: {  	v14 =	vld [tilespmem:s9+$0x70];
	[tilespmem:s13+$0xFFFFFFB0] =	vst v15  }
0x133: {  	v15 =	vld [tilespmem:s18+$0xB0]  }
0x134: {  	v11 =	vmul.f32 v11, v19;
	v20 =	vld [tilespmem:s18+$0xFFFFFF00];
	v16 =	vmul.f32 v16, v17;
	v9 =	vpop (erf)  }
0x135: {  	v17 =	vld [tilespmem:s9+$0xFFFFFF90];
	[tilespmem:s21+$0xFFFFFFE0] =	vst v9  }
0x136: {  	v12 =	vmul.f32 v12, v10;
	v19 =	vld [tilespmem:s18+$0xFFFFFF10];
	v22 =	vadd.f32 v16, v11;
	v16 =	vmul.f32 v18, v13;
	v10 =	vpop (erf)  }
0x137: {  	v18 =	vld [tilespmem:s9+$0xFFFFFFC0];
	[tilespmem:s21+$0xFFFFFFF0] =	vst v10  }
0x138: {  	v21 =	vld [tilespmem:s18+$0xFFFFFF80];
	v12 =	vadd.f32 v12, v22;
	v14 =	vmul.f32 v15, v14;
	[tilespmem:s17+$0x60] =	vst v16;
	v11 =	vpop (erf)  }
0x139: {  	[tilespmem:s21+$0x0] =	vst v11;
	v15 =	vld [tilespmem:s20+$0xF0]  }
0x13a: {  	v16 =	vld [tilespmem:s9+$0xFFFFFFD0];
	v12 =	vadd.f32 v14, v12  }
0x13b: {  	v14 =	vmul.f32 v19, v17;
	v17 =	vld [tilespmem:s18+$0xFFFFFF90]  }
0x13c: {  	v19 =	vld [tilespmem:s9+$0x0];
	v22 =	vperm.xlane v12, v2  }
0x13d: {  	v18 =	vmul.f32 v21, v18;
	v21 =	vld [tilespmem:s18+$0x0]  }
0x13e: {  	v23 =	vld [tilespmem:s9+$0x10];
	v12 =	vadd.f32 v12, v22;
	v13 =	vmul.f32 v15, v13  }
0x13f: {  	v15 =	vld [tilespmem:s18+$0x10]  }
0x140: {  	v22 =	vld [tilespmem:s9+$0xFFFFFF80];
	v16 =	vmul.f32 v17, v16;
	v17 =	vperm.xlane v12, v3;
	[tilespmem:s17+$0x70] =	vst v13  }
0x141: {  	v13 =	vld [tilespmem:s9+$0xFFFFFFA0]  }
0x142: {  	v24 =	vld [tilespmem:s18+$0xFFFFFF20];
	v16 =	vadd.f32 v16, v18;
	v18 =	vmul.f32 v21, v19;
	v12 =	vadd.f32 v12, v17  }
0x143: {  	v17 =	vld [tilespmem:s9+$0xFFFFFFE0]  }
0x144: {  	v19 =	vld [tilespmem:s18+$0xFFFFFFA0];
	v15 =	vmul.f32 v15, v23;
	v12 =	vmul.f32 $1.442695020e+00, v12  }
0x145: {  	v20 =	vmul.f32 v20, v22;
	v21 =	vld [tilespmem:s9+$0x20]  }
0x146: {  	v15 =	vadd.f32 v15, v18;
	v18 =	vld [tilespmem:s18+$0x20];
	(erf) = vpow2.f32 v12  }
0x147: {  	v12 =	vadd.f32 v14, v20;
	v13 =	vmul.f32 v24, v13;
	v14 =	vld [tilespmem:s9+$0xFFFFFFB0]  }
0x148: {  	v20 =	vld [tilespmem:s18+$0xFFFFFF30]  }
0x149: {  	v12 =	vadd.f32 v13, v12;
	v13 =	vmul.f32 v19, v17;
	v17 =	vld [tilespmem:s9+$0xFFFFFFF0]  }
0x14a: {  	v19 =	vld [tilespmem:s18+$0xFFFFFFB0]  }
0x14b: {  	v16 =	vadd.f32 v13, v16;
	v13 =	vmul.f32 v18, v21;
	v18 =	vld [tilespmem:s9+$0x30]  }
0x14c: {  	v21 =	vld [tilespmem:s18+$0x30]  }
0x14d: {  	v14 =	vmul.f32 v20, v14;
	v15 =	vadd.f32 v13, v15;
	v20 =	vld [tilespmem:s20+$0xFFFFFF40]  }
0x14e: {  	v22 =	vld [tilespmem:s20+$0xFFFFFFC0]  }
0x14f: {  	s21 =	sadd.s32 $0x40, s21;
	v12 =	vadd.f32 v14, v12;
	v14 =	vmul.f32 v19, v17;
	v13 =	vpop (erf);
	v17 =	vld [tilespmem:s20+$0x40]  }
0x150: {  	[tilespmem:s21+$0x10] =	vst v13;
	v19 =	vld [tilespmem:s15+$0xFFFFFF60]  }
0x151: {  	v23 =	vperm.xlane v12, v2;
	v14 =	vadd.f32 v14, v16;
	v16 =	vmul.f32 v21, v18;
	v18 =	vld [tilespmem:s18+$0xC0]  }
0x152: {  	v20 =	vmul.f32 v9, v20;
	v21 =	vld [tilespmem:s15+$0xFFFFFFE0]  }
0x153: {  	v23 =	vadd.f32 v12, v23;
	v12 =	vperm.xlane v14, v2;
	v15 =	vadd.f32 v16, v15;
	v24 =	vld [tilespmem:s15+$0x60]  }
0x154: {  	v16 =	vmul.f32 v10, v22;
	[tilespmem:s17+$0xFFFFFF80] =	vst v20;
	v17 =	vmul.f32 v11, v17;
	v25 =	vld [tilespmem:s12+$0xFFFFFFF0]  }
0x155: {  	v20 =	vperm.xlane v23, v3;
	v26 =	vadd.f32 v14, v12;
	v14 =	vperm.xlane v15, v2;
	v27 =	vld [tilespmem:s20+$0xFFFFFF50]  }
.Ltmp1:
0x156: {  	v28 =	vmul.f32 v19, v7;
	v18 =	vmul.f32 v13, v18;
	[tilespmem:s17+$0xFFFFFFC0] =	vst v16;
	v12 =	vld [tilespmem:s12+$0x70];
	s12 =	smov.u32 s15;
	s15 =	smov.u32 s20;
	(pc) =	sbr.rel @p0 .LBB2_5-.Ltmp1, $4  }
0x157: {  	s17 =	sadd.s32 $0x100, s17;
	s20 =	smov.u32 s18;
	v22 =	vadd.f32 v23, v20;
	v23 =	vperm.xlane v26, v3;
	v20 =	vadd.f32 v15, v14;
	v16 =	vld [tilespmem:s15+$0xFFFFFFD0];
	[tilespmem:s16+$0x0] =	vst v17  }
0x158: {  	v17 =	vmul.f32 v21, v8;
	[tilespmem:s17+$0x40] =	vst v18;
	v14 =	vld [tilespmem:s15+$0x50];
	v19 =	vmul.f32 v24, v5  }
0x159: {  	v22 =	vmul.f32 $1.442695020e+00, v22;
	v24 =	vadd.f32 v26, v23;
	v23 =	vperm.xlane v20, v3;
	v18 =	vld [tilespmem:s18+$0xD0];
	[tilespmem:s14+$0xFFFFFFA0] =	vst v28  }
0x15a: {  	s9 =	sadd.s32 $0x100, s9;
	v21 =	vmul.f32 v9, v27;
	v15 =	vld [tilespmem:s12+$0xFFFFFF70];
	[tilespmem:s14+$0xFFFFFFE0] =	vst v17;
	v17 =	vmul.f32 v25, v6;
	v6 =	vmovc v8;
	v8 =	vmov v10  }
0x15b: {  	v10 =	vadd.f32 v20, v23  }
0x15c: {  	v36 =	vmul.f32 $1.442695020e+00, v24  }
0x15d: {  	(erf) = vpow2.f32 v22;
	v10 =	vmul.f32 $1.442695020e+00, v10  }
0x15e: {  	(erf) = vpow2.f32 v36  }
0x15f: {  	(erf) = vpow2.f32 v10;
	_ =	sdelay $0x6  }
0x160: {  	v37 =	vpop (erf)  }
0x161: {  	[tilespmem:s21+$0xFFFFFFE0] =	vst v37;
	v20 =	vpop (erf)  }
0x162: {  	v39 =	vld [tilespmem:s20+$0xFFFFFF40];
	[tilespmem:s21+$0xFFFFFFF0] =	vst v20;
	v38 =	vpop (erf)  }
0x163: {  	v40 =	vld [tilespmem:s20+$0xFFFFFFC0];
	[tilespmem:s21+$0x0] =	vst v38  }
0x164: {  	v25 =	vld [tilespmem:s20+$0x40];
	_ =	sdelay $0x1  }
0x165: {  	[tilespmem:s14+$0x20] =	vst v19  }
0x166: {  	[tilespmem:s16+$0xFFFFFF90] =	vst v21;
	v41 =	vmul.f32 v37, v39  }
0x167: {  	[tilespmem:s13+$0xFFFFFFF0] =	vst v17;
	v42 =	vmul.f32 v20, v40  }
0x168: {  	[tilespmem:s17+$0xFFFFFF80] =	vst v41;
	v43 =	vmul.f32 v38, v25  }
0x169: {  	v4 =	vmul.f32 v12, v4;
	v44 =	vld [tilespmem:s20+$0xFFFFFF50];
	[tilespmem:s17+$0xFFFFFFC0] =	vst v42  }
0x16a: {  	v16 =	vmul.f32 v8, v16;
	v21 =	vld [tilespmem:s20+$0xFFFFFFD0];
	[tilespmem:s17+$0x0] =	vst v43  }
0x16b: {  	v46 =	vmul.f32 v11, v14;
	[tilespmem:s13+$0x30] =	vst v4;
	v45 =	vld [tilespmem:s20+$0x50]  }
0x16c: {  	v57 =	vld [tilespmem:s12+$0xFFFFFFF0];
	v18 =	vmul.f32 v13, v18;
	[tilespmem:s16+$0xFFFFFFD0] =	vst v16  }
0x16d: {  	v4 =	vld [tilespmem:s15+$0xFFFFFF60];
	[tilespmem:s16+$0x10] =	vst v46;
	v7 =	vmul.f32 v15, v7  }
0x16e: {  	v49 =	vld [tilespmem:s15+$0xFFFFFFE0];
	[tilespmem:s17+$0x50] =	vst v18;
	v48 =	vmul.f32 v37, v44  }
0x16f: {  	v51 =	vld [tilespmem:s15+$0x60];
	[tilespmem:s14+$0xFFFFFFB0] =	vst v7;
	v50 =	vmul.f32 v20, v21  }
0x170: {  	v18 =	vld [tilespmem:s20+$0xE0];
	[tilespmem:s17+$0xFFFFFF90] =	vst v48;
	v52 =	vmul.f32 v38, v45  }
0x171: {  	v6 =	vmul.f32 v57, v6;
	v53 =	vld [tilespmem:s20+$0xFFFFFF60];
	[tilespmem:s17+$0xFFFFFFD0] =	vst v50  }
0x172: {  	v4 =	vmul.f32 v4, v9;
	v55 =	vld [tilespmem:s20+$0xFFFFFFE0];
	[tilespmem:s17+$0x10] =	vst v52  }
0x173: {  	[tilespmem:s14+$0xFFFFFFF0] =	vst v6;
	v12 =	vmul.f32 v49, v8;
	v56 =	vld [tilespmem:s20+$0x60]  }
0x174: {  	v58 =	vld [tilespmem:s12+$0x70];
	[tilespmem:s16+$0xFFFFFFA0] =	vst v4;
	v59 =	vmul.f32 v51, v11  }
0x175: {  	v4 =	vld [tilespmem:s15+$0xFFFFFF70];
	v18 =	vmul.f32 v18, v13;
	[tilespmem:s16+$0xFFFFFFE0] =	vst v12  }
0x176: {  	[tilespmem:s16+$0x20] =	vst v59;
	v61 =	vld [tilespmem:s15+$0xFFFFFFF0];
	v60 =	vmul.f32 v53, v37  }
0x177: {  	[tilespmem:s17+$0x60] =	vst v18;
	v17 =	vld [tilespmem:s15+$0x70];
	v14 =	vmul.f32 v55, v20  }
0x178: {  	v47 =	vld [tilespmem:s20+$0xF0];
	[tilespmem:s17+$0xFFFFFFA0] =	vst v60;
	v7 =	vmul.f32 v56, v38  }
0x179: {  	v5 =	vmul.f32 v58, v5;
	v12 =	vld [tilespmem:s20+$0xFFFFFF70];
	[tilespmem:s17+$0xFFFFFFE0] =	vst v14  }
0x17a: {  	v4 =	vmul.f32 v4, v9;
	v62 =	vld [tilespmem:s20+$0xFFFFFFF0];
	[tilespmem:s17+$0x20] =	vst v7  }
0x17b: {  	[tilespmem:s14+$0x30] =	vst v5;
	v5 =	vmul.f32 v61, v8;
	v63 =	vld [tilespmem:s20+$0x70]  }
0x17c: {  	[tilespmem:s16+$0xFFFFFFB0] =	vst v4;
	v4 =	vmul.f32 v17, v11  }
0x17d: {  	v54 =	vmul.f32 v47, v13;
	[tilespmem:s16+$0xFFFFFFF0] =	vst v5  }
0x17e: {  	[tilespmem:s16+$0x30] =	vst v4;
	v5 =	vmul.f32 v12, v37  }
0x17f: {  	[tilespmem:s17+$0x70] =	vst v54;
	v4 =	vmul.f32 v62, v20  }
0x180: {  	[tilespmem:s17+$0xFFFFFFB0] =	vst v5;
	v5 =	vmul.f32 v63, v38  }
0x181: {  	[tilespmem:s17+$0xFFFFFFF0] =	vst v4  }
0x182: {  	[tilespmem:s17+$0x30] =	vst v5  }
0x183: {  	[spmem:s2] =	stream.indirect.scatter.add.f32 [tilespmem:s23], [sflag:$0x3], $0x40, s26, s26, $0xb8;
	[tilespmem:$0x15180] =	vst v63  }
0x184: {  	s11 =	sadd.s32 $0x1, s11;
	_ =	swait.ge [sflag:s24], $0x2000  }
0x185: {  	p0 =	sne.s32 s11, $0x9D;
	[sflag:s24] =	ssyncset.done $0x0  }
.Ltmp2:
0x186: {  	[sflag:s24] =	ssyncadd.s32 $0xFFFFE000;
	(pc) =	sbr.rel @p0 .LBB2_4-.Ltmp2, $4  }
0x187: {  	[spmem:s3] =	stream.indirect.scatter.add.f32 [tilespmem:s25], [sflag:$0x3], $0x10, s26, s26, $0xb8;
	[tilespmem:$0x15180] =	vst v63  }
0x188: {  	_ =	swait.ge [sflag:s24], $0x800  }
0x189: {  	[sflag:s24] =	ssyncset.done $0x0  }
0x18a: {  	[sflag:s24] =	ssyncadd.s32 $0xFFFFF800  }
0x18b: {  	s9 =	stileid.u32  }
0x18c: {  	[bflag:$0x0] =	sbarrier.arrive $0xFFFF;
	s9 =	sshll.u32 s9, $0x6  }
0x18d: {  	s11 =	sshrl.u32 s10, $0x3;
	s16 =	rddreg [dreg:$0xe];
	s9 =	sor.u32 $0x1C03, s9  }
0x18e: {  	[hbm:s16], [sflag:s9] =	dma.local [spmem:s11], $0x1400  }
0x18f: {  	_ =	swait.ge [sflag:s24], $0x1400  }
0x190: {  	[sflag:s24] =	ssyncset.done $0x0;
	s21 =	rddreg [dreg:$0x5]  }
0x191: {  	s18 =	rddreg [dreg:$0xf];
	[sflag:s24] =	ssyncadd.s32 $0xFFFFEC00;
	s17 =	sshrl.u32 s21, $0x3  }
0x192: {  	[hbm:s18], [sflag:s9] =	dma.local [spmem:s17], $0x500  }
0x193: {  	_ =	swait.ge [sflag:s24], $0x500  }
0x194: {  	s1 =	sadd.s32 $0x1, s1;
	s22 =	rddreg [dreg:$0x10]  }
0x195: {  	p0 =	sne.s32 s1, s22  }
.Ltmp3:
0x196: {  	_ = 	snop;
	(pc) =	sbr.rel @p0 .LBB2_1-.Ltmp3, $3  }
0x197: {  	_ =	sdelay $0x1  }
0x198: {  	[sflag:s24] =	ssyncset.done $0x0  }
0x199: {  	s20 =	smov.u32 s10;
	[sflag:s24] =	ssyncadd.s32 $0xFFFFFB00  }
0x19a: {  	_ =	sfence.sel $0x180000  }
0x19b: {  	[bflag:$0x0] =	sbarrier.arrive $0xFFFF  }
0x19c: {  	_ =	strace $0x90000047  }
0x19d: {  	s0 =	stileid.u32;
	[bflag:$0x2] =	sbarrier.arrive $0xFFFF  }
0x19e: {  	p0 =	sne.s32 s0, $0x0;
	s0 =	rddreg [dreg:$0x4]  }
0x19f: {  	s0 =	sadd.s32 @!p0 $0x100000, s0  }
0x1a0: {  	[sflag:s0] =	ssyncadd.tile.s32 @!p0 $0x1;
	_ =	shalt  }
.Lfunc_end2:
_tile_overlayer_lowered:
.L_overlay_start_2:
0x1a1: {  	(tag) =	ssettag $0x2  }
0x1a2: {  	s0 =	rddreg [dreg:$0x0];
	s2 =	stileid.u32  }
0x1a3: {  	s1 =	rddreg [dreg:$0x1];
	p0 =	sne.s32 s2, $0x0  }
0x1a4: {  	s3 =	rddreg [dreg:$0x2];
	[bflag:$0x3] =	sbarrier.arrive $0xFFFF;
	s2 =	simm.s32 @!p0 $0x1C03  }
0x1a5: {  	[timem:s3], [sflag:s2] =	dma.local @!p0 [hbm:s0], s1  }
0x1a6: {  	s0 =	simm.s32 @!p0 $0x3  }
0x1a7: {  	_ =	swait.ge @!p0 [sflag:s0], s1  }
0x1a8: {  	s1 =	ssub.s32 @!p0 $0x0, s1;
	[sflag:s0] =	ssyncset.done @!p0 $0x0  }
0x1a9: {  	[sflag:s0] =	ssyncadd.s32 @!p0 s1  }
0x1aa: {  	[bflag:$0x3] =	sbarrier.arrive $0xFFFF  }
0x1ab: {  	_ =	shalt  }

</sc_bundles>
